<compile_context>
chip_gen: v7x
topology: tpu7x:2x2x1
jax: 0.10.2.dev20260603
libtpu: 0.0.44.dev20260713+nightly
codegen_flags: <defaults>
</compile_context>

<pallas_src>
import functools

import jax
import jax.numpy as jnp
from jax import lax
from jax.experimental import pallas as pl
from jax.experimental.pallas import tpu as pltpu
from jax.experimental.pallas import tpu_sc as plsc

NN = 4096
DD = 256
HH = 256
OUT = 64
BLK = 512
NBK = NN // BLK
NT = NBK * (NBK + 1) // 2
UROWS = NT * BLK
TOT = NN * NN
K_RANK = int(round(0.99 * (TOT - 1)))


def _tri_base(a):
    return a * (2 * NBK + 1 - a) // 2


def _tri_a(t):
    a = jnp.int32(0)
    for k in range(1, NBK):
        a = a + (t >= _tri_base(k)).astype(jnp.int32)
    return a


NC, NS, L = 2, 16, 16
NW = NC * NS
ROWS_PW = UROWS // NW
CR = 32
VPR = BLK // L
NB1 = 1 << 15
NB2 = 1 << 16


@functools.cache
def _sc_mesh():
    return plsc.VectorSubcoreMesh(
        core_axis_name="c", subcore_axis_name="s",
        num_cores=NC, num_subcores=NS)


def _zero_hist(hist, nb):
    zeros = jnp.zeros((L,), jnp.int32)

    def body(t, carry):
        hist[pl.ds(t * L, L)] = zeros
        return carry

    lax.fori_loop(0, nb // L, body, 0)


_DIAG_TS = tuple(_tri_base(a) for a in range(NBK))


def _chunk_weight(row):
    tt = jax.lax.shift_right_logical(row, 9)
    isd = jnp.int32(0)
    for t in _DIAG_TS:
        isd = isd | (tt == t).astype(jnp.int32)
    return jnp.broadcast_to(2 - isd, (L,))


def _scan_rows(u_hbm, row0, buf0, buf1, sem0, sem1, process):
    nch = ROWS_PW // CR

    def start(c, buf, sem):
        pltpu.make_async_copy(
            u_hbm.at[pl.ds(row0 + c * CR, CR)], buf, sem).start()

    def wait(buf, sem):
        pltpu.make_async_copy(u_hbm.at[pl.ds(row0, CR)], buf, sem).wait()

    start(0, buf0, sem0)

    def outer(g, carry):
        c0 = 2 * g
        start(c0 + 1, buf1, sem1)
        wait(buf0, sem0)
        process(buf0, row0 + c0 * CR)

        @pl.when(c0 + 2 < nch)
        def _():
            start(c0 + 2, buf0, sem0)

        wait(buf1, sem1)
        process(buf1, row0 + (c0 + 1) * CR)
        return carry

    lax.fori_loop(0, nch // 2, outer, 0)


def _hist1_body(u_hbm, out_hbm, buf0, buf1, hist, sem0, sem1):
    wid = lax.axis_index("s") * NC + lax.axis_index("c")
    _zero_hist(hist, NB1)

    def process(buf, row):
        w = _chunk_weight(row)

        @plsc.parallel_loop(0, CR * VPR, unroll=16)
        def _(t):
            rr = jax.lax.shift_right_logical(t, 5)
            cc = jnp.bitwise_and(t, VPR - 1)
            v = buf[rr, pl.ds(cc * L, L)]
            bits = lax.bitcast_convert_type(v, jnp.int32)
            idx = jax.lax.shift_right_logical(bits, 16)
            plsc.addupdate_scatter(hist, [idx], w)

    _scan_rows(u_hbm, wid * ROWS_PW, buf0, buf1, sem0, sem1, process)
    pltpu.sync_copy(hist, out_hbm.at[wid])


def _hist2_body(u_hbm, b1_hbm, out_hbm, buf0, buf1, hist, b1v, sem0, sem1):
    wid = lax.axis_index("s") * NC + lax.axis_index("c")
    _zero_hist(hist, NB2)
    pltpu.sync_copy(b1_hbm, b1v)
    b1 = b1v[...]

    def process(buf, row):
        w = _chunk_weight(row)

        @plsc.parallel_loop(0, CR * VPR, unroll=16)
        def _(t):
            rr = jax.lax.shift_right_logical(t, 5)
            cc = jnp.bitwise_and(t, VPR - 1)
            v = buf[rr, pl.ds(cc * L, L)]
            bits = lax.bitcast_convert_type(v, jnp.int32)
            hi = jax.lax.shift_right_logical(bits, 16)
            lo = jnp.bitwise_and(bits, 0xFFFF)
            plsc.addupdate_scatter(hist, [lo], w, mask=hi == b1)

    _scan_rows(u_hbm, wid * ROWS_PW, buf0, buf1, sem0, sem1, process)
    pltpu.sync_copy(hist, out_hbm.at[wid])


@functools.cache
def _hist1():
    return pl.kernel(
        _hist1_body,
        out_type=jax.ShapeDtypeStruct((NW, NB1), jnp.int32),
        mesh=_sc_mesh(),
        scratch_types=[
            pltpu.VMEM((CR, BLK), jnp.float32),
            pltpu.VMEM((CR, BLK), jnp.float32),
            pltpu.VMEM((NB1,), jnp.int32),
            pltpu.SemaphoreType.DMA,
            pltpu.SemaphoreType.DMA,
        ],
        compiler_params=pltpu.CompilerParams(needs_layout_passes=False),
    )


@functools.cache
def _hist2():
    return pl.kernel(
        _hist2_body,
        out_type=jax.ShapeDtypeStruct((NW, NB2), jnp.int32),
        mesh=_sc_mesh(),
        scratch_types=[
            pltpu.VMEM((CR, BLK), jnp.float32),
            pltpu.VMEM((CR, BLK), jnp.float32),
            pltpu.VMEM((NB2,), jnp.int32),
            pltpu.VMEM((L,), jnp.int32),
            pltpu.SemaphoreType.DMA,
            pltpu.SemaphoreType.DMA,
        ],
        compiler_params=pltpu.CompilerParams(needs_layout_passes=False),
    )


def _prep_body(x_ref, win_ref, xn_ref, h_ref, hb_ref):
    x = x_ref[...]
    nrm = jnp.sqrt(jnp.sum(x * x, axis=1, keepdims=True))
    xn_ref[...] = x / jnp.maximum(nrm, 1e-8)
    h = lax.dot_general(x, win_ref[...], (((1,), (1,)), ((), ())),
                        preferred_element_type=jnp.float32)
    h = jnp.maximum(h, 0.0)
    h_ref[...] = h
    hb_ref[...] = h.astype(jnp.bfloat16)


def _sim_body(xi_ref, xj_ref, sim_ref):
    sim_ref[...] = jnp.abs(
        lax.dot_general(xi_ref[...], xj_ref[...], (((1,), (1,)), ((), ())),
                        preferred_element_type=jnp.float32))


def _sage_body(eps_ref, u_ref, hba_ref, hbb_ref, hfull_ref, wl_ref, bl_ref,
               wr_ref, wo_ref, bo_ref, out_ref, acc_ref, cnt_ref):
    t = pl.program_id(0)
    a = _tri_a(t)
    b = t - a * (2 * NBK + 1 - a) // 2 + a

    @pl.when(t == 0)
    def _():
        acc_ref[...] = jnp.zeros_like(acc_ref)
        cnt_ref[...] = jnp.zeros_like(cnt_ref)

    eps = eps_ref[0, 0]
    mask = u_ref[...] >= eps
    a16 = mask.astype(jnp.bfloat16)

    acc_ref[pl.ds(a * BLK, BLK), :] += lax.dot_general(
        a16, hbb_ref[...], (((1,), (0,)), ((), ())),
        preferred_element_type=jnp.float32)
    csum = jnp.sum(mask.astype(jnp.float32), axis=1, keepdims=True)
    cnt_ref[pl.ds(a * BLK, BLK), :] += jnp.broadcast_to(
        csum, (BLK, cnt_ref.shape[1]))

    @pl.when(b != a)
    def _():
        acc_ref[pl.ds(b * BLK, BLK), :] += lax.dot_general(
            a16, hba_ref[...], (((0,), (0,)), ((), ())),
            preferred_element_type=jnp.float32)
        ones = jnp.ones((BLK, cnt_ref.shape[1]), jnp.bfloat16)
        cnt_ref[pl.ds(b * BLK, BLK), :] += lax.dot_general(
            a16, ones, (((0,), (0,)), ((), ())),
            preferred_element_type=jnp.float32)

    @pl.when(t == pl.num_programs(0) - 1)
    def _():
        acc = acc_ref[...]
        cnt = cnt_ref[...][:, :1]
        mean = acc / jnp.maximum(cnt, 1.0)
        h = hfull_ref[...]
        z = (lax.dot_general(mean, wl_ref[...], (((1,), (1,)), ((), ())),
                             preferred_element_type=jnp.float32)
             + bl_ref[...]
             + lax.dot_general(h, wr_ref[...], (((1,), (1,)), ((), ())),
                               preferred_element_type=jnp.float32))
        z = jnp.maximum(z, 0.0)
        o = lax.dot_general(z, wo_ref[...], (((1,), (1,)), ((), ())),
                            preferred_element_type=jnp.float32) + bo_ref[...]
        m = jnp.max(o, axis=1, keepdims=True)
        e = jnp.exp(o - m)
        out_ref[...] = e / jnp.sum(e, axis=1, keepdims=True)


def _prep_call(x, W_in):
    return pl.pallas_call(
        _prep_body,
        grid=(NBK,),
        in_specs=[
            pl.BlockSpec((BLK, DD), lambda i: (i, 0)),
            pl.BlockSpec((HH, DD), lambda i: (0, 0)),
        ],
        out_specs=[
            pl.BlockSpec((BLK, DD), lambda i: (i, 0)),
            pl.BlockSpec((BLK, HH), lambda i: (i, 0)),
            pl.BlockSpec((BLK, HH), lambda i: (i, 0)),
        ],
        out_shape=[
            jax.ShapeDtypeStruct((NN, DD), jnp.float32),
            jax.ShapeDtypeStruct((NN, HH), jnp.float32),
            jax.ShapeDtypeStruct((NN, HH), jnp.bfloat16),
        ],
    )(x, W_in)


def _sim_call(xn):
    def imap_i(t):
        return (_tri_a(t), 0)

    def imap_j(t):
        a = _tri_a(t)
        return (t - a * (2 * NBK + 1 - a) // 2 + a, 0)

    return pl.pallas_call(
        _sim_body,
        grid=(NT,),
        in_specs=[
            pl.BlockSpec((BLK, DD), imap_i),
            pl.BlockSpec((BLK, DD), imap_j),
        ],
        out_specs=pl.BlockSpec((BLK, BLK), lambda t: (t, 0)),
        out_shape=jax.ShapeDtypeStruct((UROWS, BLK), jnp.float32),
    )(xn, xn)


def _select_eps(h1, h2_fn):
    c1 = jnp.sum(h1, axis=0)
    cum1 = jnp.cumsum(c1)
    b1 = jnp.argmax(cum1 >= (K_RANK + 1)).astype(jnp.int32)
    rank2 = K_RANK - (cum1[b1] - c1[b1])
    h2 = h2_fn(jnp.full((L,), b1, jnp.int32))
    c2 = jnp.sum(h2, axis=0)
    cum2 = jnp.cumsum(c2)
    b2 = jnp.argmax(cum2 >= (rank2 + 1)).astype(jnp.int32)
    eps_bits = jnp.bitwise_or(jnp.left_shift(b1, 16), b2)
    return lax.bitcast_convert_type(eps_bits, jnp.float32)


def _sage_call(eps, u, h, hb, Wl, bl, Wr, Wo, bo):
    def imap_a(t):
        return (_tri_a(t), 0)

    def imap_b(t):
        a = _tri_a(t)
        return (t - a * (2 * NBK + 1 - a) // 2 + a, 0)

    return pl.pallas_call(
        _sage_body,
        grid=(NT,),
        in_specs=[
            pl.BlockSpec(memory_space=pltpu.SMEM),
            pl.BlockSpec((BLK, BLK), lambda t: (t, 0)),
            pl.BlockSpec((BLK, HH), imap_a),
            pl.BlockSpec((BLK, HH), imap_b),
            pl.BlockSpec((NN, HH), lambda t: (0, 0)),
            pl.BlockSpec((HH, HH), lambda t: (0, 0)),
            pl.BlockSpec((1, HH), lambda t: (0, 0)),
            pl.BlockSpec((HH, HH), lambda t: (0, 0)),
            pl.BlockSpec((OUT, HH), lambda t: (0, 0)),
            pl.BlockSpec((1, OUT), lambda t: (0, 0)),
        ],
        out_specs=pl.BlockSpec((NN, OUT), lambda t: (0, 0)),
        out_shape=jax.ShapeDtypeStruct((NN, OUT), jnp.float32),
        scratch_shapes=[
            pltpu.VMEM((NN, HH), jnp.float32),
            pltpu.VMEM((NN, 128), jnp.float32),
        ],
    )(eps, u, hb, hb, h, Wl, bl.reshape(1, HH), Wr, Wo, bo.reshape(1, OUT))


def kernel(x, W_in, Wl, bl, Wr, Wo, bo):
    xn, h, hb = _prep_call(x, W_in)
    u = _sim_call(xn)
    h1 = _hist1()(u)
    eps = _select_eps(h1, lambda b1v: _hist2()(u, b1v))
    return _sage_call(eps.reshape(1, 1), u, h, hb, Wl, bl, Wr, Wo, bo)

# --- scband reference (transcript-rebuilt; emitter-appended) ---
"""Pipeline reference for scband-graph-conv-net-28535762714722 (READ-ONLY COPY).

The authoritative reference and input builder live on the scoring server;
editing this copy changes nothing except your own understanding.
"""

import jax, jax.numpy as jnp
import numpy as np

N = 4096
D = 256
H = 256
OUT = 64
ALPHA = 0.99


def setup_inputs(seed: int = 0) -> dict:
    key = jax.random.key(seed)
    ks = jax.random.split(key, 8)
    x = jax.random.normal(ks[0], (N, D), dtype=jnp.float32)
    s_in = 1.0 / np.sqrt(D)
    s_h = 1.0 / np.sqrt(H)
    W_in = jax.random.uniform(ks[1], (H, D), minval=-s_in, maxval=s_in, dtype=jnp.float32)
    Wl = jax.random.uniform(ks[2], (H, H), minval=-s_h, maxval=s_h, dtype=jnp.float32)
    bl = jnp.zeros((H,), dtype=jnp.float32)
    Wr = jax.random.uniform(ks[3], (H, H), minval=-s_h, maxval=s_h, dtype=jnp.float32)
    Wo = jax.random.uniform(ks[4], (OUT, H), minval=-s_h, maxval=s_h, dtype=jnp.float32)
    bo = jnp.zeros((OUT,), dtype=jnp.float32)
    return {"x": x, "W_in": W_in, "Wl": Wl, "bl": bl, "Wr": Wr, "Wo": Wo, "bo": bo}


def _create_edge_index(x):
    # |cosine_similarity(x_i, x_j)| for all pairs
    norm = jnp.linalg.norm(x, axis=-1, keepdims=True)
    xn = x / jnp.clip(norm, 1e-8)
    sim = jnp.abs(xn @ xn.T)
    flat = jnp.sort(sim.reshape(-1))
    n = flat.shape[0]
    # torch.quantile(..., interpolation='nearest')
    idx = jnp.round(ALPHA * (n - 1)).astype(jnp.int32)
    eps = flat[idx]
    adj = sim >= eps
    return adj


def _sage_conv(h, adj, Wl, bl, Wr, num_nodes):
    # PyG SAGEConv with mean aggregation: messages flow row (source) -> col (target)
    a = adj.astype(h.dtype)

    def body(carry, inp):
        agg, cnt = carry
        ar, hr = inp
        agg = agg + ar[:, None] * hr[None, :]
        cnt = cnt + ar
        return (agg, cnt), None

    init = (
        jnp.zeros((num_nodes, h.shape[1]), dtype=h.dtype),
        jnp.zeros((num_nodes,), dtype=h.dtype),
    )
    (agg, cnt), _ = jax.lax.scan(body, init, (a, h))
    mean = agg / jnp.clip(cnt, 1.0)[:, None]
    return mean @ Wl.T + bl + h @ Wr.T


def reference(x, W_in, Wl, bl, Wr, Wo, bo):
    adj = _create_edge_index(x)
    h = jax.nn.relu(x @ W_in.T)
    h = _sage_conv(h, adj, Wl, bl, Wr, N)
    h = jax.nn.relu(h)
    out = h @ Wo.T + bo
    return jax.nn.softmax(out, axis=1)

if __name__ == "__main__":
    import jax
    _d = setup_inputs()
    print(jax.jit(kernel)(*tuple(_d.values())))

</pallas_src>

<mosaic_0001>
#map = affine_map<(d0, d1) -> (0, 0)>
module attributes {stable_mosaic.version = 14 : i64} {
  func.func @_hist1_body(%arg0: i32, %arg1: i32, %arg2: memref<18432x512xf32, #tpu.memory_space<hbm>>, %arg3: memref<32x32768xi32, #tpu.memory_space<hbm>>, %arg4: memref<32x512xf32, #tpu.memory_space<vmem>>, %arg5: memref<32x512xf32, #tpu.memory_space<vmem>>, %arg6: memref<32768xi32, #tpu.memory_space<vmem>>, %arg7: memref<!tpu.dma_semaphore, #tpu.memory_space<semaphore_mem>>, %arg8: memref<!tpu.dma_semaphore, #tpu.memory_space<semaphore_mem>>) attributes {dimension_semantics = [#tpu.dimension_semantics<core_parallel>, #tpu.dimension_semantics<subcore_parallel>], iteration_bounds = array<i64: 2, 16>, scalar_prefetch = 0 : i64, scratch_operands = 5 : i64, tpu.core_type = #tpu.core_type<sc_vector_subcore>, window_params = [{transform_indices = #map}, {transform_indices = #map}]} {
    %mul3A = arith.constant 2 : i32
    %mul3A_0 = arith.muli %arg1, %mul3A : i32
    %add3A = arith.addi %mul3A_0, %arg0 : i32
    %broadcast_in_dim3A = arith.constant 0 : i32
    %broadcast_in_dim3A_1 = vector.broadcast %broadcast_in_dim3A : i32 to vector<16xi32>
    %scan3A = arith.constant 0 : i32
    %scan3A_2 = arith.constant 0 : i32
    %scan3A_3 = arith.constant 2048 : i32
    %scan3A_4 = arith.addi %scan3A_2, %scan3A_3 : i32
    %scan3A_5 = arith.constant 1 : i32
    scf.for %scan3A_20 = %scan3A_2 to %scan3A_4 step %scan3A_5  : i32 {
      %mul3A_21 = arith.constant 16 : i32
      %mul3A_22 = arith.muli %scan3A_20, %mul3A_21 : i32
      %swap3A = arith.index_cast %mul3A_22 : i32 to index
      %swap3A_23 = tpu.vector_load %arg6[%swap3A] {strides = array<i32>} : memref<32768xi32, #tpu.memory_space<vmem>>, vector<16xi32>,
      tpu.vector_store %arg6[%swap3A], %broadcast_in_dim3A_1 {strides = array<i32>} : memref<32768xi32, #tpu.memory_space<vmem>>, vector<16xi32>,
    }
    %scan3A_6 = arith.constant 2048 : i32
    %mul3A_7 = arith.constant 576 : i32
    %mul3A_8 = arith.muli %add3A, %mul3A_7 : i32
    %add3A_9 = arith.constant 0 : i32
    %add3A_10 = arith.addi %mul3A_8, %add3A_9 : i32
    %dma_start3A = arith.constant 0 : i32
    %dma_start3A_11 = tpu.memref_slice %arg2[%add3A_10, %dma_start3A] : memref<18432x512xf32, #tpu.memory_space<hbm>> -> memref<32x512xf32, #tpu.memory_space<hbm>>
    %dma_start3A_12 = arith.constant 0 : i32
    %dma_start3A_13 = tpu.memref_slice %arg2[%add3A_10, %dma_start3A_12] : memref<18432x512xf32, #tpu.memory_space<hbm>> -> memref<32x512xf32, #tpu.memory_space<hbm>>
    tpu.enqueue_dma source(%dma_start3A_13 : memref<32x512xf32, #tpu.memory_space<hbm>>) target(%arg4 : memref<32x512xf32, #tpu.memory_space<vmem>>) target_semaphore(%arg7 : memref<!tpu.dma_semaphore, #tpu.memory_space<semaphore_mem>>)
    %scan3A_14 = arith.constant 0 : i32
    %scan3A_15 = arith.constant 0 : i32
    %scan3A_16 = arith.constant 9 : i32
    %scan3A_17 = arith.addi %scan3A_15, %scan3A_16 : i32
    %scan3A_18 = arith.constant 1 : i32
    scf.for %scan3A_20 = %scan3A_15 to %scan3A_17 step %scan3A_18  : i32 {
      %mul3A_21 = arith.constant 2 : i32
      %mul3A_22 = arith.muli %mul3A_21, %scan3A_20 : i32
      %add3A_23 = arith.constant 1 : i32
      %add3A_24 = arith.addi %mul3A_22, %add3A_23 : i32
      %mul3A_25 = arith.constant 32 : i32
      %mul3A_26 = arith.muli %add3A_24, %mul3A_25 : i32
      %add3A_27 = arith.addi %mul3A_8, %mul3A_26 : i32
      %dma_start3A_28 = arith.constant 0 : i32
      %dma_start3A_29 = tpu.memref_slice %arg2[%add3A_27, %dma_start3A_28] : memref<18432x512xf32, #tpu.memory_space<hbm>> -> memref<32x512xf32, #tpu.memory_space<hbm>>
      %dma_start3A_30 = arith.constant 0 : i32
      %dma_start3A_31 = tpu.memref_slice %arg2[%add3A_27, %dma_start3A_30] : memref<18432x512xf32, #tpu.memory_space<hbm>> -> memref<32x512xf32, #tpu.memory_space<hbm>>
      tpu.enqueue_dma source(%dma_start3A_31 : memref<32x512xf32, #tpu.memory_space<hbm>>) target(%arg5 : memref<32x512xf32, #tpu.memory_space<vmem>>) target_semaphore(%arg8 : memref<!tpu.dma_semaphore, #tpu.memory_space<semaphore_mem>>)
      %dma_wait3A = arith.constant 0 : i32
      %dma_wait3A_32 = tpu.memref_slice %arg2[%mul3A_8, %dma_wait3A] : memref<18432x512xf32, #tpu.memory_space<hbm>> -> memref<32x512xf32, #tpu.memory_space<hbm>>
      %dma_wait3A_33 = arith.constant 0 : i32
      %dma_wait3A_34 = tpu.memref_slice %arg2[%mul3A_8, %dma_wait3A_33] : memref<18432x512xf32, #tpu.memory_space<hbm>> -> memref<32x512xf32, #tpu.memory_space<hbm>>
      tpu.wait_dma2 semaphore(%arg7 : memref<!tpu.dma_semaphore, #tpu.memory_space<semaphore_mem>>) src(%dma_wait3A_34 : memref<32x512xf32, #tpu.memory_space<hbm>>) dst(%arg4 : memref<32x512xf32, #tpu.memory_space<vmem>>)
      %mul3A_35 = arith.constant 32 : i32
      %mul3A_36 = arith.muli %mul3A_22, %mul3A_35 : i32
      %add3A_37 = arith.addi %mul3A_8, %mul3A_36 : i32
      %shift_right_logical3A = arith.constant 9 : i32
      %shift_right_logical3A_38 = arith.shrui %add3A_37, %shift_right_logical3A : i32
      %eq3A = arith.constant 0 : i32
      %eq3A_39 = arith.cmpi eq, %shift_right_logical3A_38, %eq3A : i32
      %convert_element_type3A = arith.extui %eq3A_39 : i1 to i32
      %or3A = arith.constant 0 : i32
      %or3A_40 = arith.ori %or3A, %convert_element_type3A : i32
      %eq3A_41 = arith.constant 8 : i32
      %eq3A_42 = arith.cmpi eq, %shift_right_logical3A_38, %eq3A_41 : i32
      %convert_element_type3A_43 = arith.extui %eq3A_42 : i1 to i32
      %or3A_44 = arith.ori %or3A_40, %convert_element_type3A_43 : i32
      %eq3A_45 = arith.constant 15 : i32
      %eq3A_46 = arith.cmpi eq, %shift_right_logical3A_38, %eq3A_45 : i32
      %convert_element_type3A_47 = arith.extui %eq3A_46 : i1 to i32
      %or3A_48 = arith.ori %or3A_44, %convert_element_type3A_47 : i32
      %eq3A_49 = arith.constant 21 : i32
      %eq3A_50 = arith.cmpi eq, %shift_right_logical3A_38, %eq3A_49 : i32
      %convert_element_type3A_51 = arith.extui %eq3A_50 : i1 to i32
      %or3A_52 = arith.ori %or3A_48, %convert_element_type3A_51 : i32
      %eq3A_53 = arith.constant 26 : i32
      %eq3A_54 = arith.cmpi eq, %shift_right_logical3A_38, %eq3A_53 : i32
      %convert_element_type3A_55 = arith.extui %eq3A_54 : i1 to i32
      %or3A_56 = arith.ori %or3A_52, %convert_element_type3A_55 : i32
      %eq3A_57 = arith.constant 30 : i32
      %eq3A_58 = arith.cmpi eq, %shift_right_logical3A_38, %eq3A_57 : i32
      %convert_element_type3A_59 = arith.extui %eq3A_58 : i1 to i32
      %or3A_60 = arith.ori %or3A_56, %convert_element_type3A_59 : i32
      %eq3A_61 = arith.constant 33 : i32
      %eq3A_62 = arith.cmpi eq, %shift_right_logical3A_38, %eq3A_61 : i32
      %convert_element_type3A_63 = arith.extui %eq3A_62 : i1 to i32
      %or3A_64 = arith.ori %or3A_60, %convert_element_type3A_63 : i32
      %eq3A_65 = arith.constant 35 : i32
      %eq3A_66 = arith.cmpi eq, %shift_right_logical3A_38, %eq3A_65 : i32
      %convert_element_type3A_67 = arith.extui %eq3A_66 : i1 to i32
      %or3A_68 = arith.ori %or3A_64, %convert_element_type3A_67 : i32
      %sub3A = arith.constant 2 : i32
      %sub3A_69 = arith.subi %sub3A, %or3A_68 : i32
      %broadcast_in_dim3A_70 = vector.broadcast %sub3A_69 : i32 to vector<16xi32>
      %parallel_loop3A = arith.constant 0 : i32
      %parallel_loop3A_71 = arith.constant 1024 : i32
      %parallel_loop3A_72 = arith.constant 1 : i32
      scf.for %parallel_loop3A_128 = %parallel_loop3A to %parallel_loop3A_71 step %parallel_loop3A_72  : i32 {
        %parallel_loop3A_129 = arith.constant 5 : i32
        %parallel_loop3A_130 = arith.shrui %parallel_loop3A_128, %parallel_loop3A_129 : i32
        %parallel_loop3A_131 = arith.constant 31 : i32
        %parallel_loop3A_132 = arith.andi %parallel_loop3A_128, %parallel_loop3A_131 : i32
        %parallel_loop3A_133 = arith.constant 16 : i32
        %parallel_loop3A_134 = arith.muli %parallel_loop3A_132, %parallel_loop3A_133 : i32
        %parallel_loop3A_135 = arith.index_cast %parallel_loop3A_130 : i32 to index
        %parallel_loop3A_136 = arith.index_cast %parallel_loop3A_134 : i32 to index
        %parallel_loop3A_137 = tpu.vector_load %arg4[%parallel_loop3A_135, %parallel_loop3A_136] {strides = array<i32>} : memref<32x512xf32, #tpu.memory_space<vmem>>, vector<16xf32>,
        %parallel_loop3A_138 = tpu.bitcast %parallel_loop3A_137 : vector<16xf32> -> vector<16xi32>
        %parallel_loop3A_139 = arith.constant 16 : i32
        %parallel_loop3A_140 = vector.broadcast %parallel_loop3A_139 : i32 to vector<16xi32>
        %parallel_loop3A_141 = arith.shrui %parallel_loop3A_138, %parallel_loop3A_140 : vector<16xi32>
        tpu.vector_store_idx %arg6[%parallel_loop3A_141], %broadcast_in_dim3A_70 {add = true} : memref<32768xi32, #tpu.memory_space<vmem>>[vector<16xi32>], vector<16xi32>,
      } {sc.loop_unroll_factor = 16 : i64, sc.parallel_access}
      %add3A_73 = arith.constant 2 : i32
      %add3A_74 = arith.addi %mul3A_22, %add3A_73 : i32
      %lt3A = arith.constant 18 : i32
      %lt3A_75 = arith.cmpi slt, %add3A_74, %lt3A : i32
      %convert_element_type3A_76 = arith.extui %lt3A_75 : i1 to i32
      %cond3A = arith.constant 0 : i32
      %cond3A_77 = arith.cmpi ne, %convert_element_type3A_76, %cond3A : i32
      scf.if %cond3A_77 {
        %add3A_128 = arith.constant 2 : i32
        %add3A_129 = arith.addi %mul3A_22, %add3A_128 : i32
        %mul3A_130 = arith.constant 32 : i32
        %mul3A_131 = arith.muli %add3A_129, %mul3A_130 : i32
        %add3A_132 = arith.addi %mul3A_8, %mul3A_131 : i32
        %dma_start3A_133 = arith.constant 0 : i32
        %dma_start3A_134 = tpu.memref_slice %arg2[%add3A_132, %dma_start3A_133] : memref<18432x512xf32, #tpu.memory_space<hbm>> -> memref<32x512xf32, #tpu.memory_space<hbm>>
        %dma_start3A_135 = arith.constant 0 : i32
        %dma_start3A_136 = tpu.memref_slice %arg2[%add3A_132, %dma_start3A_135] : memref<18432x512xf32, #tpu.memory_space<hbm>> -> memref<32x512xf32, #tpu.memory_space<hbm>>
        tpu.enqueue_dma source(%dma_start3A_136 : memref<32x512xf32, #tpu.memory_space<hbm>>) target(%arg4 : memref<32x512xf32, #tpu.memory_space<vmem>>) target_semaphore(%arg7 : memref<!tpu.dma_semaphore, #tpu.memory_space<semaphore_mem>>)
      } else {
      }
      %dma_wait3A_78 = arith.constant 0 : i32
      %dma_wait3A_79 = tpu.memref_slice %arg2[%mul3A_8, %dma_wait3A_78] : memref<18432x512xf32, #tpu.memory_space<hbm>> -> memref<32x512xf32, #tpu.memory_space<hbm>>
      %dma_wait3A_80 = arith.constant 0 : i32
      %dma_wait3A_81 = tpu.memref_slice %arg2[%mul3A_8, %dma_wait3A_80] : memref<18432x512xf32, #tpu.memory_space<hbm>> -> memref<32x512xf32, #tpu.memory_space<hbm>>
      tpu.wait_dma2 semaphore(%arg8 : memref<!tpu.dma_semaphore, #tpu.memory_space<semaphore_mem>>) src(%dma_wait3A_81 : memref<32x512xf32, #tpu.memory_space<hbm>>) dst(%arg5 : memref<32x512xf32, #tpu.memory_space<vmem>>)
      %add3A_82 = arith.constant 1 : i32
      %add3A_83 = arith.addi %mul3A_22, %add3A_82 : i32
      %mul3A_84 = arith.constant 32 : i32
      %mul3A_85 = arith.muli %add3A_83, %mul3A_84 : i32
      %add3A_86 = arith.addi %mul3A_8, %mul3A_85 : i32
      %shift_right_logical3A_87 = arith.constant 9 : i32
      %shift_right_logical3A_88 = arith.shrui %add3A_86, %shift_right_logical3A_87 : i32
      %eq3A_89 = arith.constant 0 : i32
      %eq3A_90 = arith.cmpi eq, %shift_right_logical3A_88, %eq3A_89 : i32
      %convert_element_type3A_91 = arith.extui %eq3A_90 : i1 to i32
      %or3A_92 = arith.constant 0 : i32
      %or3A_93 = arith.ori %or3A_92, %convert_element_type3A_91 : i32
      %eq3A_94 = arith.constant 8 : i32
      %eq3A_95 = arith.cmpi eq, %shift_right_logical3A_88, %eq3A_94 : i32
      %convert_element_type3A_96 = arith.extui %eq3A_95 : i1 to i32
      %or3A_97 = arith.ori %or3A_93, %convert_element_type3A_96 : i32
      %eq3A_98 = arith.constant 15 : i32
      %eq3A_99 = arith.cmpi eq, %shift_right_logical3A_88, %eq3A_98 : i32
      %convert_element_type3A_100 = arith.extui %eq3A_99 : i1 to i32
      %or3A_101 = arith.ori %or3A_97, %convert_element_type3A_100 : i32
      %eq3A_102 = arith.constant 21 : i32
      %eq3A_103 = arith.cmpi eq, %shift_right_logical3A_88, %eq3A_102 : i32
      %convert_element_type3A_104 = arith.extui %eq3A_103 : i1 to i32
      %or3A_105 = arith.ori %or3A_101, %convert_element_type3A_104 : i32
      %eq3A_106 = arith.constant 26 : i32
      %eq3A_107 = arith.cmpi eq, %shift_right_logical3A_88, %eq3A_106 : i32
      %convert_element_type3A_108 = arith.extui %eq3A_107 : i1 to i32
      %or3A_109 = arith.ori %or3A_105, %convert_element_type3A_108 : i32
      %eq3A_110 = arith.constant 30 : i32
      %eq3A_111 = arith.cmpi eq, %shift_right_logical3A_88, %eq3A_110 : i32
      %convert_element_type3A_112 = arith.extui %eq3A_111 : i1 to i32
      %or3A_113 = arith.ori %or3A_109, %convert_element_type3A_112 : i32
      %eq3A_114 = arith.constant 33 : i32
      %eq3A_115 = arith.cmpi eq, %shift_right_logical3A_88, %eq3A_114 : i32
      %convert_element_type3A_116 = arith.extui %eq3A_115 : i1 to i32
      %or3A_117 = arith.ori %or3A_113, %convert_element_type3A_116 : i32
      %eq3A_118 = arith.constant 35 : i32
      %eq3A_119 = arith.cmpi eq, %shift_right_logical3A_88, %eq3A_118 : i32
      %convert_element_type3A_120 = arith.extui %eq3A_119 : i1 to i32
      %or3A_121 = arith.ori %or3A_117, %convert_element_type3A_120 : i32
      %sub3A_122 = arith.constant 2 : i32
      %sub3A_123 = arith.subi %sub3A_122, %or3A_121 : i32
      %broadcast_in_dim3A_124 = vector.broadcast %sub3A_123 : i32 to vector<16xi32>
      %parallel_loop3A_125 = arith.constant 0 : i32
      %parallel_loop3A_126 = arith.constant 1024 : i32
      %parallel_loop3A_127 = arith.constant 1 : i32
      scf.for %parallel_loop3A_128 = %parallel_loop3A_125 to %parallel_loop3A_126 step %parallel_loop3A_127  : i32 {
        %parallel_loop3A_129 = arith.constant 5 : i32
        %parallel_loop3A_130 = arith.shrui %parallel_loop3A_128, %parallel_loop3A_129 : i32
        %parallel_loop3A_131 = arith.constant 31 : i32
        %parallel_loop3A_132 = arith.andi %parallel_loop3A_128, %parallel_loop3A_131 : i32
        %parallel_loop3A_133 = arith.constant 16 : i32
        %parallel_loop3A_134 = arith.muli %parallel_loop3A_132, %parallel_loop3A_133 : i32
        %parallel_loop3A_135 = arith.index_cast %parallel_loop3A_130 : i32 to index
        %parallel_loop3A_136 = arith.index_cast %parallel_loop3A_134 : i32 to index
        %parallel_loop3A_137 = tpu.vector_load %arg5[%parallel_loop3A_135, %parallel_loop3A_136] {strides = array<i32>} : memref<32x512xf32, #tpu.memory_space<vmem>>, vector<16xf32>,
        %parallel_loop3A_138 = tpu.bitcast %parallel_loop3A_137 : vector<16xf32> -> vector<16xi32>
        %parallel_loop3A_139 = arith.constant 16 : i32
        %parallel_loop3A_140 = vector.broadcast %parallel_loop3A_139 : i32 to vector<16xi32>
        %parallel_loop3A_141 = arith.shrui %parallel_loop3A_138, %parallel_loop3A_140 : vector<16xi32>
        tpu.vector_store_idx %arg6[%parallel_loop3A_141], %broadcast_in_dim3A_124 {add = true} : memref<32768xi32, #tpu.memory_space<vmem>>[vector<16xi32>], vector<16xi32>,
      } {sc.loop_unroll_factor = 16 : i64, sc.parallel_access}
    }
    %scan3A_19 = arith.constant 9 : i32
    "tpu.region"() ({
      %run_scoped3A = tpu.sem_alloc : memref<!tpu.dma_semaphore, #tpu.memory_space<semaphore_mem>>
      %dma_start3A_20 = arith.constant 0 : i32
      %dma_start3A_21 = tpu.memref_slice %arg3[%add3A, %dma_start3A_20] : memref<32x32768xi32, #tpu.memory_space<hbm>> -> memref<1x32768xi32, #tpu.memory_space<hbm>>
      %dma_start3A_22 = tpu.memref_squeeze %dma_start3A_21 : memref<1x32768xi32, #tpu.memory_space<hbm>> -> memref<32768xi32, #tpu.memory_space<hbm>>
      %dma_start3A_23 = arith.constant 0 : i32
      %dma_start3A_24 = tpu.memref_slice %arg3[%add3A, %dma_start3A_23] : memref<32x32768xi32, #tpu.memory_space<hbm>> -> memref<1x32768xi32, #tpu.memory_space<hbm>>
      %dma_start3A_25 = tpu.memref_squeeze %dma_start3A_24 : memref<1x32768xi32, #tpu.memory_space<hbm>> -> memref<32768xi32, #tpu.memory_space<hbm>>
      tpu.enqueue_dma source(%arg6 : memref<32768xi32, #tpu.memory_space<vmem>>) target(%dma_start3A_25 : memref<32768xi32, #tpu.memory_space<hbm>>) target_semaphore(%run_scoped3A : memref<!tpu.dma_semaphore, #tpu.memory_space<semaphore_mem>>)
      %dma_wait3A = arith.constant 0 : i32
      %dma_wait3A_26 = tpu.memref_slice %arg3[%add3A, %dma_wait3A] : memref<32x32768xi32, #tpu.memory_space<hbm>> -> memref<1x32768xi32, #tpu.memory_space<hbm>>
      %dma_wait3A_27 = tpu.memref_squeeze %dma_wait3A_26 : memref<1x32768xi32, #tpu.memory_space<hbm>> -> memref<32768xi32, #tpu.memory_space<hbm>>
      %dma_wait3A_28 = arith.constant 0 : i32
      %dma_wait3A_29 = tpu.memref_slice %arg3[%add3A, %dma_wait3A_28] : memref<32x32768xi32, #tpu.memory_space<hbm>> -> memref<1x32768xi32, #tpu.memory_space<hbm>>
      %dma_wait3A_30 = tpu.memref_squeeze %dma_wait3A_29 : memref<1x32768xi32, #tpu.memory_space<hbm>> -> memref<32768xi32, #tpu.memory_space<hbm>>
      tpu.wait_dma2 semaphore(%run_scoped3A : memref<!tpu.dma_semaphore, #tpu.memory_space<semaphore_mem>>) src(%arg6 : memref<32768xi32, #tpu.memory_space<vmem>>) dst(%dma_wait3A_30 : memref<32768xi32, #tpu.memory_space<hbm>>)
      tpu.yield
    }) : () -> ()
    return
  }
}

#map = affine_map<(d0, d1) -> (0, 0)>
#map1 = affine_map<(d0, d1) -> (0)>
module attributes {stable_mosaic.version = 14 : i64} {
  func.func @_hist2_body(%arg0: i32, %arg1: i32, %arg2: memref<18432x512xf32, #tpu.memory_space<hbm>>, %arg3: memref<16xi32, #tpu.memory_space<hbm>>, %arg4: memref<32x65536xi32, #tpu.memory_space<hbm>>, %arg5: memref<32x512xf32, #tpu.memory_space<vmem>>, %arg6: memref<32x512xf32, #tpu.memory_space<vmem>>, %arg7: memref<65536xi32, #tpu.memory_space<vmem>>, %arg8: memref<16xi32, #tpu.memory_space<vmem>>, %arg9: memref<!tpu.dma_semaphore, #tpu.memory_space<semaphore_mem>>, %arg10: memref<!tpu.dma_semaphore, #tpu.memory_space<semaphore_mem>>) attributes {dimension_semantics = [#tpu.dimension_semantics<core_parallel>, #tpu.dimension_semantics<subcore_parallel>], iteration_bounds = array<i64: 2, 16>, scalar_prefetch = 0 : i64, scratch_operands = 6 : i64, tpu.core_type = #tpu.core_type<sc_vector_subcore>, window_params = [{transform_indices = #map}, {transform_indices = #map1}, {transform_indices = #map}]} {
    %mul3A = arith.constant 2 : i32
    %mul3A_0 = arith.muli %arg1, %mul3A : i32
    %add3A = arith.addi %mul3A_0, %arg0 : i32
    %broadcast_in_dim3A = arith.constant 0 : i32
    %broadcast_in_dim3A_1 = vector.broadcast %broadcast_in_dim3A : i32 to vector<16xi32>
    %scan3A = arith.constant 0 : i32
    %scan3A_2 = arith.constant 0 : i32
    %scan3A_3 = arith.constant 4096 : i32
    %scan3A_4 = arith.addi %scan3A_2, %scan3A_3 : i32
    %scan3A_5 = arith.constant 1 : i32
    scf.for %scan3A_21 = %scan3A_2 to %scan3A_4 step %scan3A_5  : i32 {
      %mul3A_22 = arith.constant 16 : i32
      %mul3A_23 = arith.muli %scan3A_21, %mul3A_22 : i32
      %swap3A = arith.index_cast %mul3A_23 : i32 to index
      %swap3A_24 = tpu.vector_load %arg7[%swap3A] {strides = array<i32>} : memref<65536xi32, #tpu.memory_space<vmem>>, vector<16xi32>,
      tpu.vector_store %arg7[%swap3A], %broadcast_in_dim3A_1 {strides = array<i32>} : memref<65536xi32, #tpu.memory_space<vmem>>, vector<16xi32>,
    }
    %scan3A_6 = arith.constant 4096 : i32
    "tpu.region"() ({
      %run_scoped3A = tpu.sem_alloc : memref<!tpu.dma_semaphore, #tpu.memory_space<semaphore_mem>>
      tpu.enqueue_dma source(%arg3 : memref<16xi32, #tpu.memory_space<hbm>>) target(%arg8 : memref<16xi32, #tpu.memory_space<vmem>>) target_semaphore(%run_scoped3A : memref<!tpu.dma_semaphore, #tpu.memory_space<semaphore_mem>>)
      tpu.wait_dma2 semaphore(%run_scoped3A : memref<!tpu.dma_semaphore, #tpu.memory_space<semaphore_mem>>) src(%arg3 : memref<16xi32, #tpu.memory_space<hbm>>) dst(%arg8 : memref<16xi32, #tpu.memory_space<vmem>>)
      tpu.yield
    }) : () -> ()
    %get3A = arith.constant 0 : index
    %get3A_7 = tpu.vector_load %arg8[%get3A] {strides = array<i32>} : memref<16xi32, #tpu.memory_space<vmem>>, vector<16xi32>,
    %mul3A_8 = arith.constant 576 : i32
    %mul3A_9 = arith.muli %add3A, %mul3A_8 : i32
    %add3A_10 = arith.constant 0 : i32
    %add3A_11 = arith.addi %mul3A_9, %add3A_10 : i32
    %dma_start3A = arith.constant 0 : i32
    %dma_start3A_12 = tpu.memref_slice %arg2[%add3A_11, %dma_start3A] : memref<18432x512xf32, #tpu.memory_space<hbm>> -> memref<32x512xf32, #tpu.memory_space<hbm>>
    %dma_start3A_13 = arith.constant 0 : i32
    %dma_start3A_14 = tpu.memref_slice %arg2[%add3A_11, %dma_start3A_13] : memref<18432x512xf32, #tpu.memory_space<hbm>> -> memref<32x512xf32, #tpu.memory_space<hbm>>
    tpu.enqueue_dma source(%dma_start3A_14 : memref<32x512xf32, #tpu.memory_space<hbm>>) target(%arg5 : memref<32x512xf32, #tpu.memory_space<vmem>>) target_semaphore(%arg9 : memref<!tpu.dma_semaphore, #tpu.memory_space<semaphore_mem>>)
    %scan3A_15 = arith.constant 0 : i32
    %scan3A_16 = arith.constant 0 : i32
    %scan3A_17 = arith.constant 9 : i32
    %scan3A_18 = arith.addi %scan3A_16, %scan3A_17 : i32
    %scan3A_19 = arith.constant 1 : i32
    scf.for %scan3A_21 = %scan3A_16 to %scan3A_18 step %scan3A_19  : i32 {
      %mul3A_22 = arith.constant 2 : i32
      %mul3A_23 = arith.muli %mul3A_22, %scan3A_21 : i32
      %add3A_24 = arith.constant 1 : i32
      %add3A_25 = arith.addi %mul3A_23, %add3A_24 : i32
      %mul3A_26 = arith.constant 32 : i32
      %mul3A_27 = arith.muli %add3A_25, %mul3A_26 : i32
      %add3A_28 = arith.addi %mul3A_9, %mul3A_27 : i32
      %dma_start3A_29 = arith.constant 0 : i32
      %dma_start3A_30 = tpu.memref_slice %arg2[%add3A_28, %dma_start3A_29] : memref<18432x512xf32, #tpu.memory_space<hbm>> -> memref<32x512xf32, #tpu.memory_space<hbm>>
      %dma_start3A_31 = arith.constant 0 : i32
      %dma_start3A_32 = tpu.memref_slice %arg2[%add3A_28, %dma_start3A_31] : memref<18432x512xf32, #tpu.memory_space<hbm>> -> memref<32x512xf32, #tpu.memory_space<hbm>>
      tpu.enqueue_dma source(%dma_start3A_32 : memref<32x512xf32, #tpu.memory_space<hbm>>) target(%arg6 : memref<32x512xf32, #tpu.memory_space<vmem>>) target_semaphore(%arg10 : memref<!tpu.dma_semaphore, #tpu.memory_space<semaphore_mem>>)
      %dma_wait3A = arith.constant 0 : i32
      %dma_wait3A_33 = tpu.memref_slice %arg2[%mul3A_9, %dma_wait3A] : memref<18432x512xf32, #tpu.memory_space<hbm>> -> memref<32x512xf32, #tpu.memory_space<hbm>>
      %dma_wait3A_34 = arith.constant 0 : i32
      %dma_wait3A_35 = tpu.memref_slice %arg2[%mul3A_9, %dma_wait3A_34] : memref<18432x512xf32, #tpu.memory_space<hbm>> -> memref<32x512xf32, #tpu.memory_space<hbm>>
      tpu.wait_dma2 semaphore(%arg9 : memref<!tpu.dma_semaphore, #tpu.memory_space<semaphore_mem>>) src(%dma_wait3A_35 : memref<32x512xf32, #tpu.memory_space<hbm>>) dst(%arg5 : memref<32x512xf32, #tpu.memory_space<vmem>>)
      %mul3A_36 = arith.constant 32 : i32
      %mul3A_37 = arith.muli %mul3A_23, %mul3A_36 : i32
      %add3A_38 = arith.addi %mul3A_9, %mul3A_37 : i32
      %shift_right_logical3A = arith.constant 9 : i32
      %shift_right_logical3A_39 = arith.shrui %add3A_38, %shift_right_logical3A : i32
      %eq3A = arith.constant 0 : i32
      %eq3A_40 = arith.cmpi eq, %shift_right_logical3A_39, %eq3A : i32
      %convert_element_type3A = arith.extui %eq3A_40 : i1 to i32
      %or3A = arith.constant 0 : i32
      %or3A_41 = arith.ori %or3A, %convert_element_type3A : i32
      %eq3A_42 = arith.constant 8 : i32
      %eq3A_43 = arith.cmpi eq, %shift_right_logical3A_39, %eq3A_42 : i32
      %convert_element_type3A_44 = arith.extui %eq3A_43 : i1 to i32
      %or3A_45 = arith.ori %or3A_41, %convert_element_type3A_44 : i32
      %eq3A_46 = arith.constant 15 : i32
      %eq3A_47 = arith.cmpi eq, %shift_right_logical3A_39, %eq3A_46 : i32
      %convert_element_type3A_48 = arith.extui %eq3A_47 : i1 to i32
      %or3A_49 = arith.ori %or3A_45, %convert_element_type3A_48 : i32
      %eq3A_50 = arith.constant 21 : i32
      %eq3A_51 = arith.cmpi eq, %shift_right_logical3A_39, %eq3A_50 : i32
      %convert_element_type3A_52 = arith.extui %eq3A_51 : i1 to i32
      %or3A_53 = arith.ori %or3A_49, %convert_element_type3A_52 : i32
      %eq3A_54 = arith.constant 26 : i32
      %eq3A_55 = arith.cmpi eq, %shift_right_logical3A_39, %eq3A_54 : i32
      %convert_element_type3A_56 = arith.extui %eq3A_55 : i1 to i32
      %or3A_57 = arith.ori %or3A_53, %convert_element_type3A_56 : i32
      %eq3A_58 = arith.constant 30 : i32
      %eq3A_59 = arith.cmpi eq, %shift_right_logical3A_39, %eq3A_58 : i32
      %convert_element_type3A_60 = arith.extui %eq3A_59 : i1 to i32
      %or3A_61 = arith.ori %or3A_57, %convert_element_type3A_60 : i32
      %eq3A_62 = arith.constant 33 : i32
      %eq3A_63 = arith.cmpi eq, %shift_right_logical3A_39, %eq3A_62 : i32
      %convert_element_type3A_64 = arith.extui %eq3A_63 : i1 to i32
      %or3A_65 = arith.ori %or3A_61, %convert_element_type3A_64 : i32
      %eq3A_66 = arith.constant 35 : i32
      %eq3A_67 = arith.cmpi eq, %shift_right_logical3A_39, %eq3A_66 : i32
      %convert_element_type3A_68 = arith.extui %eq3A_67 : i1 to i32
      %or3A_69 = arith.ori %or3A_65, %convert_element_type3A_68 : i32
      %sub3A = arith.constant 2 : i32
      %sub3A_70 = arith.subi %sub3A, %or3A_69 : i32
      %broadcast_in_dim3A_71 = vector.broadcast %sub3A_70 : i32 to vector<16xi32>
      %parallel_loop3A = arith.constant 0 : i32
      %parallel_loop3A_72 = arith.constant 1024 : i32
      %parallel_loop3A_73 = arith.constant 1 : i32
      scf.for %parallel_loop3A_129 = %parallel_loop3A to %parallel_loop3A_72 step %parallel_loop3A_73  : i32 {
        %parallel_loop3A_130 = arith.constant 5 : i32
        %parallel_loop3A_131 = arith.shrui %parallel_loop3A_129, %parallel_loop3A_130 : i32
        %parallel_loop3A_132 = arith.constant 31 : i32
        %parallel_loop3A_133 = arith.andi %parallel_loop3A_129, %parallel_loop3A_132 : i32
        %parallel_loop3A_134 = arith.constant 16 : i32
        %parallel_loop3A_135 = arith.muli %parallel_loop3A_133, %parallel_loop3A_134 : i32
        %parallel_loop3A_136 = arith.index_cast %parallel_loop3A_131 : i32 to index
        %parallel_loop3A_137 = arith.index_cast %parallel_loop3A_135 : i32 to index
        %parallel_loop3A_138 = tpu.vector_load %arg5[%parallel_loop3A_136, %parallel_loop3A_137] {strides = array<i32>} : memref<32x512xf32, #tpu.memory_space<vmem>>, vector<16xf32>,
        %parallel_loop3A_139 = tpu.bitcast %parallel_loop3A_138 : vector<16xf32> -> vector<16xi32>
        %parallel_loop3A_140 = arith.constant 16 : i32
        %parallel_loop3A_141 = vector.broadcast %parallel_loop3A_140 : i32 to vector<16xi32>
        %parallel_loop3A_142 = arith.shrui %parallel_loop3A_139, %parallel_loop3A_141 : vector<16xi32>
        %parallel_loop3A_143 = arith.constant 65535 : i32
        %parallel_loop3A_144 = vector.broadcast %parallel_loop3A_143 : i32 to vector<16xi32>
        %parallel_loop3A_145 = arith.andi %parallel_loop3A_139, %parallel_loop3A_144 : vector<16xi32>
        %parallel_loop3A_146 = arith.cmpi eq, %parallel_loop3A_142, %get3A_7 : vector<16xi32>
        tpu.vector_store_idx %arg7[%parallel_loop3A_145], %broadcast_in_dim3A_71 masked %parallel_loop3A_146 {add = true} : memref<65536xi32, #tpu.memory_space<vmem>>[vector<16xi32>], vector<16xi32>, vector<16xi1>
      } {sc.loop_unroll_factor = 16 : i64, sc.parallel_access}
      %add3A_74 = arith.constant 2 : i32
      %add3A_75 = arith.addi %mul3A_23, %add3A_74 : i32
      %lt3A = arith.constant 18 : i32
      %lt3A_76 = arith.cmpi slt, %add3A_75, %lt3A : i32
      %convert_element_type3A_77 = arith.extui %lt3A_76 : i1 to i32
      %cond3A = arith.constant 0 : i32
      %cond3A_78 = arith.cmpi ne, %convert_element_type3A_77, %cond3A : i32
      scf.if %cond3A_78 {
        %add3A_129 = arith.constant 2 : i32
        %add3A_130 = arith.addi %mul3A_23, %add3A_129 : i32
        %mul3A_131 = arith.constant 32 : i32
        %mul3A_132 = arith.muli %add3A_130, %mul3A_131 : i32
        %add3A_133 = arith.addi %mul3A_9, %mul3A_132 : i32
        %dma_start3A_134 = arith.constant 0 : i32
        %dma_start3A_135 = tpu.memref_slice %arg2[%add3A_133, %dma_start3A_134] : memref<18432x512xf32, #tpu.memory_space<hbm>> -> memref<32x512xf32, #tpu.memory_space<hbm>>
        %dma_start3A_136 = arith.constant 0 : i32
        %dma_start3A_137 = tpu.memref_slice %arg2[%add3A_133, %dma_start3A_136] : memref<18432x512xf32, #tpu.memory_space<hbm>> -> memref<32x512xf32, #tpu.memory_space<hbm>>
        tpu.enqueue_dma source(%dma_start3A_137 : memref<32x512xf32, #tpu.memory_space<hbm>>) target(%arg5 : memref<32x512xf32, #tpu.memory_space<vmem>>) target_semaphore(%arg9 : memref<!tpu.dma_semaphore, #tpu.memory_space<semaphore_mem>>)
      } else {
      }
      %dma_wait3A_79 = arith.constant 0 : i32
      %dma_wait3A_80 = tpu.memref_slice %arg2[%mul3A_9, %dma_wait3A_79] : memref<18432x512xf32, #tpu.memory_space<hbm>> -> memref<32x512xf32, #tpu.memory_space<hbm>>
      %dma_wait3A_81 = arith.constant 0 : i32
      %dma_wait3A_82 = tpu.memref_slice %arg2[%mul3A_9, %dma_wait3A_81] : memref<18432x512xf32, #tpu.memory_space<hbm>> -> memref<32x512xf32, #tpu.memory_space<hbm>>
      tpu.wait_dma2 semaphore(%arg10 : memref<!tpu.dma_semaphore, #tpu.memory_space<semaphore_mem>>) src(%dma_wait3A_82 : memref<32x512xf32, #tpu.memory_space<hbm>>) dst(%arg6 : memref<32x512xf32, #tpu.memory_space<vmem>>)
      %add3A_83 = arith.constant 1 : i32
      %add3A_84 = arith.addi %mul3A_23, %add3A_83 : i32
      %mul3A_85 = arith.constant 32 : i32
      %mul3A_86 = arith.muli %add3A_84, %mul3A_85 : i32
      %add3A_87 = arith.addi %mul3A_9, %mul3A_86 : i32
      %shift_right_logical3A_88 = arith.constant 9 : i32
      %shift_right_logical3A_89 = arith.shrui %add3A_87, %shift_right_logical3A_88 : i32
      %eq3A_90 = arith.constant 0 : i32
      %eq3A_91 = arith.cmpi eq, %shift_right_logical3A_89, %eq3A_90 : i32
      %convert_element_type3A_92 = arith.extui %eq3A_91 : i1 to i32
      %or3A_93 = arith.constant 0 : i32
      %or3A_94 = arith.ori %or3A_93, %convert_element_type3A_92 : i32
      %eq3A_95 = arith.constant 8 : i32
      %eq3A_96 = arith.cmpi eq, %shift_right_logical3A_89, %eq3A_95 : i32
      %convert_element_type3A_97 = arith.extui %eq3A_96 : i1 to i32
      %or3A_98 = arith.ori %or3A_94, %convert_element_type3A_97 : i32
      %eq3A_99 = arith.constant 15 : i32
      %eq3A_100 = arith.cmpi eq, %shift_right_logical3A_89, %eq3A_99 : i32
      %convert_element_type3A_101 = arith.extui %eq3A_100 : i1 to i32
      %or3A_102 = arith.ori %or3A_98, %convert_element_type3A_101 : i32
      %eq3A_103 = arith.constant 21 : i32
      %eq3A_104 = arith.cmpi eq, %shift_right_logical3A_89, %eq3A_103 : i32
      %convert_element_type3A_105 = arith.extui %eq3A_104 : i1 to i32
      %or3A_106 = arith.ori %or3A_102, %convert_element_type3A_105 : i32
      %eq3A_107 = arith.constant 26 : i32
      %eq3A_108 = arith.cmpi eq, %shift_right_logical3A_89, %eq3A_107 : i32
      %convert_element_type3A_109 = arith.extui %eq3A_108 : i1 to i32
      %or3A_110 = arith.ori %or3A_106, %convert_element_type3A_109 : i32
      %eq3A_111 = arith.constant 30 : i32
      %eq3A_112 = arith.cmpi eq, %shift_right_logical3A_89, %eq3A_111 : i32
      %convert_element_type3A_113 = arith.extui %eq3A_112 : i1 to i32
      %or3A_114 = arith.ori %or3A_110, %convert_element_type3A_113 : i32
      %eq3A_115 = arith.constant 33 : i32
      %eq3A_116 = arith.cmpi eq, %shift_right_logical3A_89, %eq3A_115 : i32
      %convert_element_type3A_117 = arith.extui %eq3A_116 : i1 to i32
      %or3A_118 = arith.ori %or3A_114, %convert_element_type3A_117 : i32
      %eq3A_119 = arith.constant 35 : i32
      %eq3A_120 = arith.cmpi eq, %shift_right_logical3A_89, %eq3A_119 : i32
      %convert_element_type3A_121 = arith.extui %eq3A_120 : i1 to i32
      %or3A_122 = arith.ori %or3A_118, %convert_element_type3A_121 : i32
      %sub3A_123 = arith.constant 2 : i32
      %sub3A_124 = arith.subi %sub3A_123, %or3A_122 : i32
      %broadcast_in_dim3A_125 = vector.broadcast %sub3A_124 : i32 to vector<16xi32>
      %parallel_loop3A_126 = arith.constant 0 : i32
      %parallel_loop3A_127 = arith.constant 1024 : i32
      %parallel_loop3A_128 = arith.constant 1 : i32
      scf.for %parallel_loop3A_129 = %parallel_loop3A_126 to %parallel_loop3A_127 step %parallel_loop3A_128  : i32 {
        %parallel_loop3A_130 = arith.constant 5 : i32
        %parallel_loop3A_131 = arith.shrui %parallel_loop3A_129, %parallel_loop3A_130 : i32
        %parallel_loop3A_132 = arith.constant 31 : i32
        %parallel_loop3A_133 = arith.andi %parallel_loop3A_129, %parallel_loop3A_132 : i32
        %parallel_loop3A_134 = arith.constant 16 : i32
        %parallel_loop3A_135 = arith.muli %parallel_loop3A_133, %parallel_loop3A_134 : i32
        %parallel_loop3A_136 = arith.index_cast %parallel_loop3A_131 : i32 to index
        %parallel_loop3A_137 = arith.index_cast %parallel_loop3A_135 : i32 to index
        %parallel_loop3A_138 = tpu.vector_load %arg6[%parallel_loop3A_136, %parallel_loop3A_137] {strides = array<i32>} : memref<32x512xf32, #tpu.memory_space<vmem>>, vector<16xf32>,
        %parallel_loop3A_139 = tpu.bitcast %parallel_loop3A_138 : vector<16xf32> -> vector<16xi32>
        %parallel_loop3A_140 = arith.constant 16 : i32
        %parallel_loop3A_141 = vector.broadcast %parallel_loop3A_140 : i32 to vector<16xi32>
        %parallel_loop3A_142 = arith.shrui %parallel_loop3A_139, %parallel_loop3A_141 : vector<16xi32>
        %parallel_loop3A_143 = arith.constant 65535 : i32
        %parallel_loop3A_144 = vector.broadcast %parallel_loop3A_143 : i32 to vector<16xi32>
        %parallel_loop3A_145 = arith.andi %parallel_loop3A_139, %parallel_loop3A_144 : vector<16xi32>
        %parallel_loop3A_146 = arith.cmpi eq, %parallel_loop3A_142, %get3A_7 : vector<16xi32>
        tpu.vector_store_idx %arg7[%parallel_loop3A_145], %broadcast_in_dim3A_125 masked %parallel_loop3A_146 {add = true} : memref<65536xi32, #tpu.memory_space<vmem>>[vector<16xi32>], vector<16xi32>, vector<16xi1>
      } {sc.loop_unroll_factor = 16 : i64, sc.parallel_access}
    }
    %scan3A_20 = arith.constant 9 : i32
    "tpu.region"() ({
      %run_scoped3A = tpu.sem_alloc : memref<!tpu.dma_semaphore, #tpu.memory_space<semaphore_mem>>
      %dma_start3A_21 = arith.constant 0 : i32
      %dma_start3A_22 = tpu.memref_slice %arg4[%add3A, %dma_start3A_21] : memref<32x65536xi32, #tpu.memory_space<hbm>> -> memref<1x65536xi32, #tpu.memory_space<hbm>>
      %dma_start3A_23 = tpu.memref_squeeze %dma_start3A_22 : memref<1x65536xi32, #tpu.memory_space<hbm>> -> memref<65536xi32, #tpu.memory_space<hbm>>
      %dma_start3A_24 = arith.constant 0 : i32
      %dma_start3A_25 = tpu.memref_slice %arg4[%add3A, %dma_start3A_24] : memref<32x65536xi32, #tpu.memory_space<hbm>> -> memref<1x65536xi32, #tpu.memory_space<hbm>>
      %dma_start3A_26 = tpu.memref_squeeze %dma_start3A_25 : memref<1x65536xi32, #tpu.memory_space<hbm>> -> memref<65536xi32, #tpu.memory_space<hbm>>
      tpu.enqueue_dma source(%arg7 : memref<65536xi32, #tpu.memory_space<vmem>>) target(%dma_start3A_26 : memref<65536xi32, #tpu.memory_space<hbm>>) target_semaphore(%run_scoped3A : memref<!tpu.dma_semaphore, #tpu.memory_space<semaphore_mem>>)
      %dma_wait3A = arith.constant 0 : i32
      %dma_wait3A_27 = tpu.memref_slice %arg4[%add3A, %dma_wait3A] : memref<32x65536xi32, #tpu.memory_space<hbm>> -> memref<1x65536xi32, #tpu.memory_space<hbm>>
      %dma_wait3A_28 = tpu.memref_squeeze %dma_wait3A_27 : memref<1x65536xi32, #tpu.memory_space<hbm>> -> memref<65536xi32, #tpu.memory_space<hbm>>
      %dma_wait3A_29 = arith.constant 0 : i32
      %dma_wait3A_30 = tpu.memref_slice %arg4[%add3A, %dma_wait3A_29] : memref<32x65536xi32, #tpu.memory_space<hbm>> -> memref<1x65536xi32, #tpu.memory_space<hbm>>
      %dma_wait3A_31 = tpu.memref_squeeze %dma_wait3A_30 : memref<1x65536xi32, #tpu.memory_space<hbm>> -> memref<65536xi32, #tpu.memory_space<hbm>>
      tpu.wait_dma2 semaphore(%run_scoped3A : memref<!tpu.dma_semaphore, #tpu.memory_space<semaphore_mem>>) src(%arg7 : memref<65536xi32, #tpu.memory_space<vmem>>) dst(%dma_wait3A_31 : memref<65536xi32, #tpu.memory_space<hbm>>)
      tpu.yield
    }) : () -> ()
    return
  }
}

module attributes {stable_mosaic.version = 14 : i64} {
  func.func @_prep_body(%arg0: i32, %arg1: memref<512x256xf32, #tpu.memory_space<vmem>>, %arg2: memref<256x256xf32, #tpu.memory_space<vmem>>, %arg3: memref<512x256xf32, #tpu.memory_space<vmem>>, %arg4: memref<512x256xf32, #tpu.memory_space<vmem>>, %arg5: memref<512x256xbf16, #tpu.memory_space<vmem>>) attributes {dimension_semantics = [#tpu.dimension_semantics<arbitrary>], iteration_bounds = array<i64: 8>, scalar_prefetch = 0 : i64, scratch_operands = 0 : i64, tpu.core_type = #tpu.core_type<tc>, window_params = [{transform_indices = @transform_0, window_bounds = array<i64: 512, 256>}, {pipeline_mode = #tpu.pipeline_mode<synchronous>, transform_indices = @transform_1, window_bounds = array<i64: 256, 256>}, {transform_indices = @transform_2, window_bounds = array<i64: 512, 256>}, {transform_indices = @transform_3, window_bounds = array<i64: 512, 256>}, {transform_indices = @transform_4, window_bounds = array<i64: 512, 256>}]} {
    %get3A = arith.constant 0 : index
    %get3A_0 = arith.constant 0 : index
    %get3A_1 = vector.load %arg1[%get3A, %get3A_0] : memref<512x256xf32, #tpu.memory_space<vmem>>, vector<512x256xf32>
    %mul3A = arith.mulf %get3A_1, %get3A_1 : vector<512x256xf32>
    %reduce_sum3A = arith.constant dense<0.000000e+00> : vector<512xf32>
    %reduce_sum3A_2 = vector.multi_reduction <add>, %mul3A, %reduce_sum3A [1] : vector<512x256xf32> to vector<512xf32>
    %broadcast_in_dim3A = vector.shape_cast %reduce_sum3A_2 : vector<512xf32> to vector<512x1xf32>
    %sqrt3A = math.sqrt %broadcast_in_dim3A : vector<512x1xf32>
    %max3A = arith.constant 9.99999993E-9 : f32
    %max3A_3 = vector.broadcast %max3A : f32 to vector<512x1xf32>
    %max3A_4 = arith.maximumf %sqrt3A, %max3A_3 : vector<512x1xf32>
    %div3A = vector.broadcast %max3A_4 : vector<512x1xf32> to vector<512x256xf32>
    %div3A_5 = arith.divf %get3A_1, %div3A : vector<512x256xf32>
    %swap3A = arith.constant 0 : index
    %swap3A_6 = arith.constant 0 : index
    %swap3A_7 = vector.load %arg3[%swap3A, %swap3A_6] : memref<512x256xf32, #tpu.memory_space<vmem>>, vector<512x256xf32>
    tpu.vector_store %arg3[%swap3A, %swap3A_6], %div3A_5 {strides = array<i32>} : memref<512x256xf32, #tpu.memory_space<vmem>>, vector<512x256xf32>,
    %get3A_8 = arith.constant 0 : index
    %get3A_9 = arith.constant 0 : index
    %get3A_10 = vector.load %arg2[%get3A_8, %get3A_9] : memref<256x256xf32, #tpu.memory_space<vmem>>, vector<256x256xf32>
    %dot_general3A = arith.constant dense<0.000000e+00> : vector<512x256xf32>
    %dot_general3A_11 = tpu.matmul %get3A_1, %get3A_10, %dot_general3A {dimension_numbers = #tpu.dot_dimension_numbers<[1], [1], [0], [0], [0, 0, 1, 0], [], []>, transpose_lhs_hint = false} : vector<512x256xf32>, vector<256x256xf32>, vector<512x256xf32> -> vector<512x256xf32>
    %max3A_12 = arith.constant 0.000000e+00 : f32
    %max3A_13 = vector.broadcast %max3A_12 : f32 to vector<512x256xf32>
    %max3A_14 = arith.maximumf %dot_general3A_11, %max3A_13 : vector<512x256xf32>
    %swap3A_15 = arith.constant 0 : index
    %swap3A_16 = arith.constant 0 : index
    %swap3A_17 = vector.load %arg4[%swap3A_15, %swap3A_16] : memref<512x256xf32, #tpu.memory_space<vmem>>, vector<512x256xf32>
    tpu.vector_store %arg4[%swap3A_15, %swap3A_16], %max3A_14 {strides = array<i32>} : memref<512x256xf32, #tpu.memory_space<vmem>>, vector<512x256xf32>,
    %convert_element_type3A = arith.truncf %max3A_14 : vector<512x256xf32> to vector<512x256xbf16>
    %swap3A_18 = arith.constant 0 : index
    %swap3A_19 = arith.constant 0 : index
    %swap3A_20 = vector.load %arg5[%swap3A_18, %swap3A_19] : memref<512x256xbf16, #tpu.memory_space<vmem>>, vector<512x256xbf16>
    tpu.vector_store %arg5[%swap3A_18, %swap3A_19], %convert_element_type3A {strides = array<i32>} : memref<512x256xbf16, #tpu.memory_space<vmem>>, vector<512x256xbf16>,
    return
  }
  func.func @transform_0(%arg0: i32) -> (i32, i32) {
    %c0_i32 = arith.constant 0 : i32
    %c0_i32_0 = arith.constant 0 : i32
    return %arg0, %c0_i32 : i32, i32
  }
  func.func @transform_1(%arg0: i32) -> (i32, i32) {
    %c0_i32 = arith.constant 0 : i32
    %c0_i32_0 = arith.constant 0 : i32
    %c0_i32_1 = arith.constant 0 : i32
    return %c0_i32, %c0_i32_0 : i32, i32
  }
  func.func @transform_2(%arg0: i32) -> (i32, i32) {
    %c0_i32 = arith.constant 0 : i32
    %c0_i32_0 = arith.constant 0 : i32
    return %arg0, %c0_i32 : i32, i32
  }
  func.func @transform_3(%arg0: i32) -> (i32, i32) {
    %c0_i32 = arith.constant 0 : i32
    %c0_i32_0 = arith.constant 0 : i32
    return %arg0, %c0_i32 : i32, i32
  }
  func.func @transform_4(%arg0: i32) -> (i32, i32) {
    %c0_i32 = arith.constant 0 : i32
    %c0_i32_0 = arith.constant 0 : i32
    return %arg0, %c0_i32 : i32, i32
  }
}

module attributes {stable_mosaic.version = 14 : i64} {
  func.func @_sim_body(%arg0: i32, %arg1: memref<512x256xf32, #tpu.memory_space<vmem>>, %arg2: memref<512x256xf32, #tpu.memory_space<vmem>>, %arg3: memref<512x512xf32, #tpu.memory_space<vmem>>) attributes {dimension_semantics = [#tpu.dimension_semantics<arbitrary>], iteration_bounds = array<i64: 36>, scalar_prefetch = 0 : i64, scratch_operands = 0 : i64, tpu.core_type = #tpu.core_type<tc>, window_params = [{transform_indices = @transform_0, window_bounds = array<i64: 512, 256>}, {transform_indices = @transform_1, window_bounds = array<i64: 512, 256>}, {transform_indices = @transform_2, window_bounds = array<i64: 512, 512>}]} {
    %get3A = arith.constant 0 : index
    %get3A_0 = arith.constant 0 : index
    %get3A_1 = vector.load %arg1[%get3A, %get3A_0] : memref<512x256xf32, #tpu.memory_space<vmem>>, vector<512x256xf32>
    %get3A_2 = arith.constant 0 : index
    %get3A_3 = arith.constant 0 : index
    %get3A_4 = vector.load %arg2[%get3A_2, %get3A_3] : memref<512x256xf32, #tpu.memory_space<vmem>>, vector<512x256xf32>
    %dot_general3A = arith.constant dense<0.000000e+00> : vector<512x512xf32>
    %dot_general3A_5 = tpu.matmul %get3A_1, %get3A_4, %dot_general3A {dimension_numbers = #tpu.dot_dimension_numbers<[1], [1], [0], [0], [0, 0, 1, 0], [], []>, transpose_lhs_hint = false} : vector<512x256xf32>, vector<512x256xf32>, vector<512x512xf32> -> vector<512x512xf32>
    %abs3A = math.absf %dot_general3A_5 : vector<512x512xf32>
    %swap3A = arith.constant 0 : index
    %swap3A_6 = arith.constant 0 : index
    %swap3A_7 = vector.load %arg3[%swap3A, %swap3A_6] : memref<512x512xf32, #tpu.memory_space<vmem>>, vector<512x512xf32>
    tpu.vector_store %arg3[%swap3A, %swap3A_6], %abs3A {strides = array<i32>} : memref<512x512xf32, #tpu.memory_space<vmem>>, vector<512x512xf32>,
    return
  }
  func.func @transform_0(%arg0: i32) -> (i32, i32) {
    %ge3A = arith.constant 8 : i32
    %ge3A_0 = arith.cmpi sge, %arg0, %ge3A : i32
    %convert_element_type3A = arith.extui %ge3A_0 : i1 to i32
    %add3A = arith.constant 0 : i32
    %add3A_1 = arith.addi %add3A, %convert_element_type3A : i32
    %ge3A_2 = arith.constant 15 : i32
    %ge3A_3 = arith.cmpi sge, %arg0, %ge3A_2 : i32
    %convert_element_type3A_4 = arith.extui %ge3A_3 : i1 to i32
    %add3A_5 = arith.addi %add3A_1, %convert_element_type3A_4 : i32
    %ge3A_6 = arith.constant 21 : i32
    %ge3A_7 = arith.cmpi sge, %arg0, %ge3A_6 : i32
    %convert_element_type3A_8 = arith.extui %ge3A_7 : i1 to i32
    %add3A_9 = arith.addi %add3A_5, %convert_element_type3A_8 : i32
    %ge3A_10 = arith.constant 26 : i32
    %ge3A_11 = arith.cmpi sge, %arg0, %ge3A_10 : i32
    %convert_element_type3A_12 = arith.extui %ge3A_11 : i1 to i32
    %add3A_13 = arith.addi %add3A_9, %convert_element_type3A_12 : i32
    %ge3A_14 = arith.constant 30 : i32
    %ge3A_15 = arith.cmpi sge, %arg0, %ge3A_14 : i32
    %convert_element_type3A_16 = arith.extui %ge3A_15 : i1 to i32
    %add3A_17 = arith.addi %add3A_13, %convert_element_type3A_16 : i32
    %ge3A_18 = arith.constant 33 : i32
    %ge3A_19 = arith.cmpi sge, %arg0, %ge3A_18 : i32
    %convert_element_type3A_20 = arith.extui %ge3A_19 : i1 to i32
    %add3A_21 = arith.addi %add3A_17, %convert_element_type3A_20 : i32
    %ge3A_22 = arith.constant 35 : i32
    %ge3A_23 = arith.cmpi sge, %arg0, %ge3A_22 : i32
    %convert_element_type3A_24 = arith.extui %ge3A_23 : i1 to i32
    %add3A_25 = arith.addi %add3A_21, %convert_element_type3A_24 : i32
    %c0_i32 = arith.constant 0 : i32
    %c0_i32_26 = arith.constant 0 : i32
    return %add3A_25, %c0_i32 : i32, i32
  }
  func.func @transform_1(%arg0: i32) -> (i32, i32) {
    %ge3A = arith.constant 8 : i32
    %ge3A_0 = arith.cmpi sge, %arg0, %ge3A : i32
    %convert_element_type3A = arith.extui %ge3A_0 : i1 to i32
    %add3A = arith.constant 0 : i32
    %add3A_1 = arith.addi %add3A, %convert_element_type3A : i32
    %ge3A_2 = arith.constant 15 : i32
    %ge3A_3 = arith.cmpi sge, %arg0, %ge3A_2 : i32
    %convert_element_type3A_4 = arith.extui %ge3A_3 : i1 to i32
    %add3A_5 = arith.addi %add3A_1, %convert_element_type3A_4 : i32
    %ge3A_6 = arith.constant 21 : i32
    %ge3A_7 = arith.cmpi sge, %arg0, %ge3A_6 : i32
    %convert_element_type3A_8 = arith.extui %ge3A_7 : i1 to i32
    %add3A_9 = arith.addi %add3A_5, %convert_element_type3A_8 : i32
    %ge3A_10 = arith.constant 26 : i32
    %ge3A_11 = arith.cmpi sge, %arg0, %ge3A_10 : i32
    %convert_element_type3A_12 = arith.extui %ge3A_11 : i1 to i32
    %add3A_13 = arith.addi %add3A_9, %convert_element_type3A_12 : i32
    %ge3A_14 = arith.constant 30 : i32
    %ge3A_15 = arith.cmpi sge, %arg0, %ge3A_14 : i32
    %convert_element_type3A_16 = arith.extui %ge3A_15 : i1 to i32
    %add3A_17 = arith.addi %add3A_13, %convert_element_type3A_16 : i32
    %ge3A_18 = arith.constant 33 : i32
    %ge3A_19 = arith.cmpi sge, %arg0, %ge3A_18 : i32
    %convert_element_type3A_20 = arith.extui %ge3A_19 : i1 to i32
    %add3A_21 = arith.addi %add3A_17, %convert_element_type3A_20 : i32
    %ge3A_22 = arith.constant 35 : i32
    %ge3A_23 = arith.cmpi sge, %arg0, %ge3A_22 : i32
    %convert_element_type3A_24 = arith.extui %ge3A_23 : i1 to i32
    %add3A_25 = arith.addi %add3A_21, %convert_element_type3A_24 : i32
    %sub3A = arith.constant 17 : i32
    %sub3A_26 = arith.subi %sub3A, %add3A_25 : i32
    %mul3A = arith.muli %add3A_25, %sub3A_26 : i32
    %jit3A = arith.constant 2 : i32
    %div3A = arith.divsi %mul3A, %jit3A : i32
    %sign3A = arith.constant 0 : i32
    %sign3A_27 = arith.cmpi sgt, %mul3A, %sign3A : i32
    %sign3A_28 = arith.extui %sign3A_27 : i1 to i32
    %sign3A_29 = arith.constant 0 : i32
    %sign3A_30 = arith.cmpi slt, %mul3A, %sign3A_29 : i32
    %sign3A_31 = arith.extui %sign3A_30 : i1 to i32
    %sign3A_32 = arith.subi %sign3A_28, %sign3A_31 : i32
    %sign3A_33 = arith.constant 0 : i32
    %sign3A_34 = arith.cmpi sgt, %jit3A, %sign3A_33 : i32
    %sign3A_35 = arith.extui %sign3A_34 : i1 to i32
    %sign3A_36 = arith.constant 0 : i32
    %sign3A_37 = arith.cmpi slt, %jit3A, %sign3A_36 : i32
    %sign3A_38 = arith.extui %sign3A_37 : i1 to i32
    %sign3A_39 = arith.subi %sign3A_35, %sign3A_38 : i32
    %ne3A = arith.cmpi ne, %sign3A_32, %sign3A_39 : i32
    %rem3A = arith.remsi %mul3A, %jit3A : i32
    %ne3A_40 = arith.constant 0 : i32
    %ne3A_41 = arith.cmpi ne, %rem3A, %ne3A_40 : i32
    %and3A = arith.andi %ne3A, %ne3A_41 : i1
    %sub3A_42 = arith.constant 1 : i32
    %sub3A_43 = arith.subi %div3A, %sub3A_42 : i32
    %select_n3A = arith.select %and3A, %sub3A_43, %div3A : i32
    %sub3A_44 = arith.subi %arg0, %select_n3A : i32
    %add3A_45 = arith.addi %sub3A_44, %add3A_25 : i32
    %c0_i32 = arith.constant 0 : i32
    %c0_i32_46 = arith.constant 0 : i32
    return %add3A_45, %c0_i32 : i32, i32
  }
  func.func @transform_2(%arg0: i32) -> (i32, i32) {
    %c0_i32 = arith.constant 0 : i32
    %c0_i32_0 = arith.constant 0 : i32
    return %arg0, %c0_i32 : i32, i32
  }
}

module attributes {stable_mosaic.version = 14 : i64} {
  func.func @_sage_body(%arg0: i32, %arg1: memref<1x1xf32, #tpu.memory_space<smem>>, %arg2: memref<512x512xf32, #tpu.memory_space<vmem>>, %arg3: memref<512x256xbf16, #tpu.memory_space<vmem>>, %arg4: memref<512x256xbf16, #tpu.memory_space<vmem>>, %arg5: memref<4096x256xf32, #tpu.memory_space<vmem>>, %arg6: memref<256x256xf32, #tpu.memory_space<vmem>>, %arg7: memref<1x256xf32, #tpu.memory_space<vmem>>, %arg8: memref<256x256xf32, #tpu.memory_space<vmem>>, %arg9: memref<64x256xf32, #tpu.memory_space<vmem>>, %arg10: memref<1x64xf32, #tpu.memory_space<vmem>>, %arg11: memref<4096x64xf32, #tpu.memory_space<vmem>>, %arg12: memref<4096x256xf32, #tpu.memory_space<vmem>>, %arg13: memref<4096x128xf32, #tpu.memory_space<vmem>>) attributes {dimension_semantics = [#tpu.dimension_semantics<arbitrary>], iteration_bounds = array<i64: 36>, scalar_prefetch = 0 : i64, scratch_operands = 2 : i64, tpu.core_type = #tpu.core_type<tc>, window_params = [{transform_indices = @transform_0, window_bounds = array<i64: 1, 1>}, {transform_indices = @transform_1, window_bounds = array<i64: 512, 512>}, {transform_indices = @transform_2, window_bounds = array<i64: 512, 256>}, {transform_indices = @transform_3, window_bounds = array<i64: 512, 256>}, {pipeline_mode = #tpu.pipeline_mode<synchronous>, transform_indices = @transform_4, window_bounds = array<i64: 4096, 256>}, {pipeline_mode = #tpu.pipeline_mode<synchronous>, transform_indices = @transform_5, window_bounds = array<i64: 256, 256>}, {pipeline_mode = #tpu.pipeline_mode<synchronous>, transform_indices = @transform_6, window_bounds = array<i64: 1, 256>}, {pipeline_mode = #tpu.pipeline_mode<synchronous>, transform_indices = @transform_7, window_bounds = array<i64: 256, 256>}, {pipeline_mode = #tpu.pipeline_mode<synchronous>, transform_indices = @transform_8, window_bounds = array<i64: 64, 256>}, {pipeline_mode = #tpu.pipeline_mode<synchronous>, transform_indices = @transform_9, window_bounds = array<i64: 1, 64>}, {pipeline_mode = #tpu.pipeline_mode<synchronous>, transform_indices = @transform_10, window_bounds = array<i64: 4096, 64>}]} {
    %ge3A = arith.constant 8 : i32
    %ge3A_0 = arith.cmpi sge, %arg0, %ge3A : i32
    %convert_element_type3A = arith.extui %ge3A_0 : i1 to i32
    %add3A = arith.constant 0 : i32
    %add3A_1 = arith.addi %add3A, %convert_element_type3A : i32
    %ge3A_2 = arith.constant 15 : i32
    %ge3A_3 = arith.cmpi sge, %arg0, %ge3A_2 : i32
    %convert_element_type3A_4 = arith.extui %ge3A_3 : i1 to i32
    %add3A_5 = arith.addi %add3A_1, %convert_element_type3A_4 : i32
    %ge3A_6 = arith.constant 21 : i32
    %ge3A_7 = arith.cmpi sge, %arg0, %ge3A_6 : i32
    %convert_element_type3A_8 = arith.extui %ge3A_7 : i1 to i32
    %add3A_9 = arith.addi %add3A_5, %convert_element_type3A_8 : i32
    %ge3A_10 = arith.constant 26 : i32
    %ge3A_11 = arith.cmpi sge, %arg0, %ge3A_10 : i32
    %convert_element_type3A_12 = arith.extui %ge3A_11 : i1 to i32
    %add3A_13 = arith.addi %add3A_9, %convert_element_type3A_12 : i32
    %ge3A_14 = arith.constant 30 : i32
    %ge3A_15 = arith.cmpi sge, %arg0, %ge3A_14 : i32
    %convert_element_type3A_16 = arith.extui %ge3A_15 : i1 to i32
    %add3A_17 = arith.addi %add3A_13, %convert_element_type3A_16 : i32
    %ge3A_18 = arith.constant 33 : i32
    %ge3A_19 = arith.cmpi sge, %arg0, %ge3A_18 : i32
    %convert_element_type3A_20 = arith.extui %ge3A_19 : i1 to i32
    %add3A_21 = arith.addi %add3A_17, %convert_element_type3A_20 : i32
    %ge3A_22 = arith.constant 35 : i32
    %ge3A_23 = arith.cmpi sge, %arg0, %ge3A_22 : i32
    %convert_element_type3A_24 = arith.extui %ge3A_23 : i1 to i32
    %add3A_25 = arith.addi %add3A_21, %convert_element_type3A_24 : i32
    %sub3A = arith.constant 17 : i32
    %sub3A_26 = arith.subi %sub3A, %add3A_25 : i32
    %mul3A = arith.muli %add3A_25, %sub3A_26 : i32
    %jit3A = arith.constant 2 : i32
    %div3A = arith.divsi %mul3A, %jit3A : i32
    %sign3A = arith.constant 0 : i32
    %sign3A_27 = arith.cmpi sgt, %mul3A, %sign3A : i32
    %sign3A_28 = arith.extui %sign3A_27 : i1 to i32
    %sign3A_29 = arith.constant 0 : i32
    %sign3A_30 = arith.cmpi slt, %mul3A, %sign3A_29 : i32
    %sign3A_31 = arith.extui %sign3A_30 : i1 to i32
    %sign3A_32 = arith.subi %sign3A_28, %sign3A_31 : i32
    %sign3A_33 = arith.constant 0 : i32
    %sign3A_34 = arith.cmpi sgt, %jit3A, %sign3A_33 : i32
    %sign3A_35 = arith.extui %sign3A_34 : i1 to i32
    %sign3A_36 = arith.constant 0 : i32
    %sign3A_37 = arith.cmpi slt, %jit3A, %sign3A_36 : i32
    %sign3A_38 = arith.extui %sign3A_37 : i1 to i32
    %sign3A_39 = arith.subi %sign3A_35, %sign3A_38 : i32
    %ne3A = arith.cmpi ne, %sign3A_32, %sign3A_39 : i32
    %rem3A = arith.remsi %mul3A, %jit3A : i32
    %ne3A_40 = arith.constant 0 : i32
    %ne3A_41 = arith.cmpi ne, %rem3A, %ne3A_40 : i32
    %and3A = arith.andi %ne3A, %ne3A_41 : i1
    %sub3A_42 = arith.constant 1 : i32
    %sub3A_43 = arith.subi %div3A, %sub3A_42 : i32
    %select_n3A = arith.select %and3A, %sub3A_43, %div3A : i32
    %sub3A_44 = arith.subi %arg0, %select_n3A : i32
    %add3A_45 = arith.addi %sub3A_44, %add3A_25 : i32
    %eq3A = arith.constant 0 : i32
    %eq3A_46 = arith.cmpi eq, %arg0, %eq3A : i32
    %convert_element_type3A_47 = arith.extui %eq3A_46 : i1 to i32
    %cond3A = arith.constant 0 : i32
    %cond3A_48 = arith.cmpi ne, %convert_element_type3A_47, %cond3A : i32
    scf.if %cond3A_48 {
      %broadcast_in_dim3A_94 = arith.constant 0.000000e+00 : f32
      %broadcast_in_dim3A_95 = vector.broadcast %broadcast_in_dim3A_94 : f32 to vector<4096x256xf32>
      %swap3A_96 = arith.constant 0 : index
      %swap3A_97 = arith.constant 0 : index
      %swap3A_98 = vector.load %arg12[%swap3A_96, %swap3A_97] : memref<4096x256xf32, #tpu.memory_space<vmem>>, vector<4096x256xf32>
      tpu.vector_store %arg12[%swap3A_96, %swap3A_97], %broadcast_in_dim3A_95 {strides = array<i32>} : memref<4096x256xf32, #tpu.memory_space<vmem>>, vector<4096x256xf32>,
      %broadcast_in_dim3A_99 = arith.constant 0.000000e+00 : f32
      %broadcast_in_dim3A_100 = vector.broadcast %broadcast_in_dim3A_99 : f32 to vector<4096x128xf32>
      %swap3A_101 = arith.constant 0 : index
      %swap3A_102 = arith.constant 0 : index
      %swap3A_103 = vector.load %arg13[%swap3A_101, %swap3A_102] : memref<4096x128xf32, #tpu.memory_space<vmem>>, vector<4096x128xf32>
      tpu.vector_store %arg13[%swap3A_101, %swap3A_102], %broadcast_in_dim3A_100 {strides = array<i32>} : memref<4096x128xf32, #tpu.memory_space<vmem>>, vector<4096x128xf32>,
    } else {
    }
    %get3A = arith.constant 0 : index
    %get3A_49 = arith.constant 0 : index
    %get3A_50 = memref.load %arg1[%get3A, %get3A_49] : memref<1x1xf32, #tpu.memory_space<smem>>
    %get3A_51 = arith.constant 0 : index
    %get3A_52 = arith.constant 0 : index
    %get3A_53 = vector.load %arg2[%get3A_51, %get3A_52] : memref<512x512xf32, #tpu.memory_space<vmem>>, vector<512x512xf32>
    %ge3A_54 = vector.broadcast %get3A_50 : f32 to vector<512x512xf32>
    %ge3A_55 = arith.cmpf oge, %get3A_53, %ge3A_54 : vector<512x512xf32>
    %convert_element_type3A_56 = arith.extui %ge3A_55 : vector<512x512xi1> to vector<512x512xi32>
    %convert_element_type3A_57 = arith.sitofp %convert_element_type3A_56 : vector<512x512xi32> to vector<512x512xf32>
    %convert_element_type3A_58 = arith.truncf %convert_element_type3A_57 : vector<512x512xf32> to vector<512x512xbf16>
    %mul3A_59 = arith.constant 512 : i32
    %mul3A_60 = arith.muli %add3A_25, %mul3A_59 : i32
    %get3A_61 = arith.index_cast %mul3A_60 : i32 to index
    %get3A_62 = arith.constant 0 : index
    %get3A_63 = vector.load %arg12[%get3A_61, %get3A_62] : memref<4096x256xf32, #tpu.memory_space<vmem>>, vector<512x256xf32>
    %get3A_64 = arith.constant 0 : index
    %get3A_65 = arith.constant 0 : index
    %get3A_66 = vector.load %arg4[%get3A_64, %get3A_65] : memref<512x256xbf16, #tpu.memory_space<vmem>>, vector<512x256xbf16>
    %dot_general3A = arith.constant dense<0.000000e+00> : vector<512x256xf32>
    %dot_general3A_67 = tpu.matmul %convert_element_type3A_58, %get3A_66, %dot_general3A {dimension_numbers = #tpu.dot_dimension_numbers<[1], [0], [0], [1], [0, 0, 1, 1], [], []>, transpose_lhs_hint = false} : vector<512x512xbf16>, vector<512x256xbf16>, vector<512x256xf32> -> vector<512x256xf32>
    %add3A_68 = arith.addf %get3A_63, %dot_general3A_67 : vector<512x256xf32>
    %swap3A = arith.index_cast %mul3A_60 : i32 to index
    %swap3A_69 = arith.constant 0 : index
    %swap3A_70 = vector.load %arg12[%swap3A, %swap3A_69] : memref<4096x256xf32, #tpu.memory_space<vmem>>, vector<512x256xf32>
    tpu.vector_store %arg12[%swap3A, %swap3A_69], %add3A_68 {strides = array<i32>} : memref<4096x256xf32, #tpu.memory_space<vmem>>, vector<512x256xf32>,
    %convert_element_type3A_71 = arith.extui %ge3A_55 : vector<512x512xi1> to vector<512x512xi32>
    %convert_element_type3A_72 = arith.sitofp %convert_element_type3A_71 : vector<512x512xi32> to vector<512x512xf32>
    %reduce_sum3A = arith.constant dense<0.000000e+00> : vector<512xf32>
    %reduce_sum3A_73 = vector.multi_reduction <add>, %convert_element_type3A_72, %reduce_sum3A [1] : vector<512x512xf32> to vector<512xf32>
    %broadcast_in_dim3A = vector.shape_cast %reduce_sum3A_73 : vector<512xf32> to vector<512x1xf32>
    %mul3A_74 = arith.constant 512 : i32
    %mul3A_75 = arith.muli %add3A_25, %mul3A_74 : i32
    %get3A_76 = arith.index_cast %mul3A_75 : i32 to index
    %get3A_77 = arith.constant 0 : index
    %get3A_78 = vector.load %arg13[%get3A_76, %get3A_77] : memref<4096x128xf32, #tpu.memory_space<vmem>>, vector<512x128xf32>
    %broadcast_in_dim3A_79 = vector.shape_cast %broadcast_in_dim3A : vector<512x1xf32> to vector<512x1xf32>
    %broadcast_in_dim3A_80 = vector.broadcast %broadcast_in_dim3A_79 : vector<512x1xf32> to vector<512x128xf32>
    %add3A_81 = arith.addf %get3A_78, %broadcast_in_dim3A_80 : vector<512x128xf32>
    %swap3A_82 = arith.index_cast %mul3A_75 : i32 to index
    %swap3A_83 = arith.constant 0 : index
    %swap3A_84 = vector.load %arg13[%swap3A_82, %swap3A_83] : memref<4096x128xf32, #tpu.memory_space<vmem>>, vector<512x128xf32>
    tpu.vector_store %arg13[%swap3A_82, %swap3A_83], %add3A_81 {strides = array<i32>} : memref<4096x128xf32, #tpu.memory_space<vmem>>, vector<512x128xf32>,
    %ne3A_85 = arith.cmpi ne, %add3A_45, %add3A_25 : i32
    %convert_element_type3A_86 = arith.extui %ne3A_85 : i1 to i32
    %cond3A_87 = arith.constant 0 : i32
    %cond3A_88 = arith.cmpi ne, %convert_element_type3A_86, %cond3A_87 : i32
    scf.if %cond3A_88 {
      %mul3A_94 = arith.constant 512 : i32
      %mul3A_95 = arith.muli %add3A_45, %mul3A_94 : i32
      %get3A_96 = arith.index_cast %mul3A_95 : i32 to index
      %get3A_97 = arith.constant 0 : index
      %get3A_98 = vector.load %arg12[%get3A_96, %get3A_97] : memref<4096x256xf32, #tpu.memory_space<vmem>>, vector<512x256xf32>
      %get3A_99 = arith.constant 0 : index
      %get3A_100 = arith.constant 0 : index
      %get3A_101 = vector.load %arg3[%get3A_99, %get3A_100] : memref<512x256xbf16, #tpu.memory_space<vmem>>, vector<512x256xbf16>
      %dot_general3A_102 = arith.constant dense<0.000000e+00> : vector<512x256xf32>
      %dot_general3A_103 = tpu.matmul %convert_element_type3A_58, %get3A_101, %dot_general3A_102 {dimension_numbers = #tpu.dot_dimension_numbers<[0], [0], [1], [1], [0, 1, 1, 1], [], []>, transpose_lhs_hint = false} : vector<512x512xbf16>, vector<512x256xbf16>, vector<512x256xf32> -> vector<512x256xf32>
      %add3A_104 = arith.addf %get3A_98, %dot_general3A_103 : vector<512x256xf32>
      %swap3A_105 = arith.index_cast %mul3A_95 : i32 to index
      %swap3A_106 = arith.constant 0 : index
      %swap3A_107 = vector.load %arg12[%swap3A_105, %swap3A_106] : memref<4096x256xf32, #tpu.memory_space<vmem>>, vector<512x256xf32>
      tpu.vector_store %arg12[%swap3A_105, %swap3A_106], %add3A_104 {strides = array<i32>} : memref<4096x256xf32, #tpu.memory_space<vmem>>, vector<512x256xf32>,
      %broadcast_in_dim3A_108 = arith.constant 1.000000e+00 : bf16
      %broadcast_in_dim3A_109 = vector.broadcast %broadcast_in_dim3A_108 : bf16 to vector<512x128xbf16>
      %mul3A_110 = arith.constant 512 : i32
      %mul3A_111 = arith.muli %add3A_45, %mul3A_110 : i32
      %get3A_112 = arith.index_cast %mul3A_111 : i32 to index
      %get3A_113 = arith.constant 0 : index
      %get3A_114 = vector.load %arg13[%get3A_112, %get3A_113] : memref<4096x128xf32, #tpu.memory_space<vmem>>, vector<512x128xf32>
      %dot_general3A_115 = arith.constant dense<0.000000e+00> : vector<512x128xf32>
      %dot_general3A_116 = tpu.matmul %convert_element_type3A_58, %broadcast_in_dim3A_109, %dot_general3A_115 {dimension_numbers = #tpu.dot_dimension_numbers<[0], [0], [1], [1], [0, 1, 1, 1], [], []>, transpose_lhs_hint = false} : vector<512x512xbf16>, vector<512x128xbf16>, vector<512x128xf32> -> vector<512x128xf32>
      %add3A_117 = arith.addf %get3A_114, %dot_general3A_116 : vector<512x128xf32>
      %swap3A_118 = arith.index_cast %mul3A_111 : i32 to index
      %swap3A_119 = arith.constant 0 : index
      %swap3A_120 = vector.load %arg13[%swap3A_118, %swap3A_119] : memref<4096x128xf32, #tpu.memory_space<vmem>>, vector<512x128xf32>
      tpu.vector_store %arg13[%swap3A_118, %swap3A_119], %add3A_117 {strides = array<i32>} : memref<4096x128xf32, #tpu.memory_space<vmem>>, vector<512x128xf32>,
    } else {
    }
    %eq3A_89 = arith.constant 35 : i32
    %eq3A_90 = arith.cmpi eq, %arg0, %eq3A_89 : i32
    %convert_element_type3A_91 = arith.extui %eq3A_90 : i1 to i32
    %cond3A_92 = arith.constant 0 : i32
    %cond3A_93 = arith.cmpi ne, %convert_element_type3A_91, %cond3A_92 : i32
    scf.if %cond3A_93 {
      %get3A_94 = arith.constant 0 : index
      %get3A_95 = arith.constant 0 : index
      %get3A_96 = vector.load %arg12[%get3A_94, %get3A_95] : memref<4096x256xf32, #tpu.memory_space<vmem>>, vector<4096x256xf32>
      %get3A_97 = arith.constant 0 : index
      %get3A_98 = arith.constant 0 : index
      %get3A_99 = vector.load %arg13[%get3A_97, %get3A_98] : memref<4096x128xf32, #tpu.memory_space<vmem>>, vector<4096x128xf32>
      %slice3A = vector.extract_strided_slice %get3A_99 {offsets = [0, 0], sizes = [4096, 1], strides = [1, 1]} : vector<4096x128xf32> to vector<4096x1xf32>
      %max3A = arith.constant 1.000000e+00 : f32
      %max3A_100 = vector.broadcast %max3A : f32 to vector<4096x1xf32>
      %max3A_101 = arith.maximumf %slice3A, %max3A_100 : vector<4096x1xf32>
      %div3A_102 = vector.broadcast %max3A_101 : vector<4096x1xf32> to vector<4096x256xf32>
      %div3A_103 = arith.divf %get3A_96, %div3A_102 : vector<4096x256xf32>
      %get3A_104 = arith.constant 0 : index
      %get3A_105 = arith.constant 0 : index
      %get3A_106 = vector.load %arg5[%get3A_104, %get3A_105] : memref<4096x256xf32, #tpu.memory_space<vmem>>, vector<4096x256xf32>
      %get3A_107 = arith.constant 0 : index
      %get3A_108 = arith.constant 0 : index
      %get3A_109 = vector.load %arg6[%get3A_107, %get3A_108] : memref<256x256xf32, #tpu.memory_space<vmem>>, vector<256x256xf32>
      %dot_general3A_110 = arith.constant dense<0.000000e+00> : vector<4096x256xf32>
      %dot_general3A_111 = tpu.matmul %div3A_103, %get3A_109, %dot_general3A_110 {dimension_numbers = #tpu.dot_dimension_numbers<[1], [1], [0], [0], [0, 0, 1, 0], [], []>, transpose_lhs_hint = false} : vector<4096x256xf32>, vector<256x256xf32>, vector<4096x256xf32> -> vector<4096x256xf32>
      %get3A_112 = arith.constant 0 : index
      %get3A_113 = arith.constant 0 : index
      %get3A_114 = vector.load %arg7[%get3A_112, %get3A_113] : memref<1x256xf32, #tpu.memory_space<vmem>>, vector<1x256xf32>
      %add3A_115 = vector.broadcast %get3A_114 : vector<1x256xf32> to vector<4096x256xf32>
      %add3A_116 = arith.addf %dot_general3A_111, %add3A_115 : vector<4096x256xf32>
      %get3A_117 = arith.constant 0 : index
      %get3A_118 = arith.constant 0 : index
      %get3A_119 = vector.load %arg8[%get3A_117, %get3A_118] : memref<256x256xf32, #tpu.memory_space<vmem>>, vector<256x256xf32>
      %dot_general3A_120 = arith.constant dense<0.000000e+00> : vector<4096x256xf32>
      %dot_general3A_121 = tpu.matmul %get3A_106, %get3A_119, %dot_general3A_120 {dimension_numbers = #tpu.dot_dimension_numbers<[1], [1], [0], [0], [0, 0, 1, 0], [], []>, transpose_lhs_hint = false} : vector<4096x256xf32>, vector<256x256xf32>, vector<4096x256xf32> -> vector<4096x256xf32>
      %add3A_122 = arith.addf %add3A_116, %dot_general3A_121 : vector<4096x256xf32>
      %max3A_123 = arith.constant 0.000000e+00 : f32
      %max3A_124 = vector.broadcast %max3A_123 : f32 to vector<4096x256xf32>
      %max3A_125 = arith.maximumf %add3A_122, %max3A_124 : vector<4096x256xf32>
      %get3A_126 = arith.constant 0 : index
      %get3A_127 = arith.constant 0 : index
      %get3A_128 = vector.load %arg9[%get3A_126, %get3A_127] : memref<64x256xf32, #tpu.memory_space<vmem>>, vector<64x256xf32>
      %dot_general3A_129 = arith.constant dense<0.000000e+00> : vector<4096x64xf32>
      %dot_general3A_130 = tpu.matmul %max3A_125, %get3A_128, %dot_general3A_129 {dimension_numbers = #tpu.dot_dimension_numbers<[1], [1], [0], [0], [0, 0, 1, 0], [], []>, transpose_lhs_hint = false} : vector<4096x256xf32>, vector<64x256xf32>, vector<4096x64xf32> -> vector<4096x64xf32>
      %get3A_131 = arith.constant 0 : index
      %get3A_132 = arith.constant 0 : index
      %get3A_133 = vector.load %arg10[%get3A_131, %get3A_132] : memref<1x64xf32, #tpu.memory_space<vmem>>, vector<1x64xf32>
      %add3A_134 = vector.broadcast %get3A_133 : vector<1x64xf32> to vector<4096x64xf32>
      %add3A_135 = arith.addf %dot_general3A_130, %add3A_134 : vector<4096x64xf32>
      %reduce_max3A = arith.constant dense<0xFF800000> : vector<4096xf32>
      %reduce_max3A_136 = vector.multi_reduction <maximumf>, %add3A_135, %reduce_max3A [1] : vector<4096x64xf32> to vector<4096xf32>
      %broadcast_in_dim3A_137 = vector.shape_cast %reduce_max3A_136 : vector<4096xf32> to vector<4096x1xf32>
      %sub3A_138 = vector.broadcast %broadcast_in_dim3A_137 : vector<4096x1xf32> to vector<4096x64xf32>
      %sub3A_139 = arith.subf %add3A_135, %sub3A_138 : vector<4096x64xf32>
      %exp3A = math.exp %sub3A_139 : vector<4096x64xf32>
      %reduce_sum3A_140 = arith.constant dense<0.000000e+00> : vector<4096xf32>
      %reduce_sum3A_141 = vector.multi_reduction <add>, %exp3A, %reduce_sum3A_140 [1] : vector<4096x64xf32> to vector<4096xf32>
      %broadcast_in_dim3A_142 = vector.shape_cast %reduce_sum3A_141 : vector<4096xf32> to vector<4096x1xf32>
      %div3A_143 = vector.broadcast %broadcast_in_dim3A_142 : vector<4096x1xf32> to vector<4096x64xf32>
      %div3A_144 = arith.divf %exp3A, %div3A_143 : vector<4096x64xf32>
      %swap3A_145 = arith.constant 0 : index
      %swap3A_146 = arith.constant 0 : index
      %swap3A_147 = vector.load %arg11[%swap3A_145, %swap3A_146] : memref<4096x64xf32, #tpu.memory_space<vmem>>, vector<4096x64xf32>
      tpu.vector_store %arg11[%swap3A_145, %swap3A_146], %div3A_144 {strides = array<i32>} : memref<4096x64xf32, #tpu.memory_space<vmem>>, vector<4096x64xf32>,
    } else {
    }
    return
  }
  func.func @transform_0(%arg0: i32) -> (i32, i32) {
    %c0_i32 = arith.constant 0 : i32
    %c0_i32_0 = arith.constant 0 : i32
    %c0_i32_1 = arith.constant 0 : i32
    return %c0_i32, %c0_i32_0 : i32, i32
  }
  func.func @transform_1(%arg0: i32) -> (i32, i32) {
    %c0_i32 = arith.constant 0 : i32
    %c0_i32_0 = arith.constant 0 : i32
    return %arg0, %c0_i32 : i32, i32
  }
  func.func @transform_2(%arg0: i32) -> (i32, i32) {
    %ge3A = arith.constant 8 : i32
    %ge3A_0 = arith.cmpi sge, %arg0, %ge3A : i32
    %convert_element_type3A = arith.extui %ge3A_0 : i1 to i32
    %add3A = arith.constant 0 : i32
    %add3A_1 = arith.addi %add3A, %convert_element_type3A : i32
    %ge3A_2 = arith.constant 15 : i32
    %ge3A_3 = arith.cmpi sge, %arg0, %ge3A_2 : i32
    %convert_element_type3A_4 = arith.extui %ge3A_3 : i1 to i32
    %add3A_5 = arith.addi %add3A_1, %convert_element_type3A_4 : i32
    %ge3A_6 = arith.constant 21 : i32
    %ge3A_7 = arith.cmpi sge, %arg0, %ge3A_6 : i32
    %convert_element_type3A_8 = arith.extui %ge3A_7 : i1 to i32
    %add3A_9 = arith.addi %add3A_5, %convert_element_type3A_8 : i32
    %ge3A_10 = arith.constant 26 : i32
    %ge3A_11 = arith.cmpi sge, %arg0, %ge3A_10 : i32
    %convert_element_type3A_12 = arith.extui %ge3A_11 : i1 to i32
    %add3A_13 = arith.addi %add3A_9, %convert_element_type3A_12 : i32
    %ge3A_14 = arith.constant 30 : i32
    %ge3A_15 = arith.cmpi sge, %arg0, %ge3A_14 : i32
    %convert_element_type3A_16 = arith.extui %ge3A_15 : i1 to i32
    %add3A_17 = arith.addi %add3A_13, %convert_element_type3A_16 : i32
    %ge3A_18 = arith.constant 33 : i32
    %ge3A_19 = arith.cmpi sge, %arg0, %ge3A_18 : i32
    %convert_element_type3A_20 = arith.extui %ge3A_19 : i1 to i32
    %add3A_21 = arith.addi %add3A_17, %convert_element_type3A_20 : i32
    %ge3A_22 = arith.constant 35 : i32
    %ge3A_23 = arith.cmpi sge, %arg0, %ge3A_22 : i32
    %convert_element_type3A_24 = arith.extui %ge3A_23 : i1 to i32
    %add3A_25 = arith.addi %add3A_21, %convert_element_type3A_24 : i32
    %c0_i32 = arith.constant 0 : i32
    %c0_i32_26 = arith.constant 0 : i32
    return %add3A_25, %c0_i32 : i32, i32
  }
  func.func @transform_3(%arg0: i32) -> (i32, i32) {
    %ge3A = arith.constant 8 : i32
    %ge3A_0 = arith.cmpi sge, %arg0, %ge3A : i32
    %convert_element_type3A = arith.extui %ge3A_0 : i1 to i32
    %add3A = arith.constant 0 : i32
    %add3A_1 = arith.addi %add3A, %convert_element_type3A : i32
    %ge3A_2 = arith.constant 15 : i32
    %ge3A_3 = arith.cmpi sge, %arg0, %ge3A_2 : i32
    %convert_element_type3A_4 = arith.extui %ge3A_3 : i1 to i32
    %add3A_5 = arith.addi %add3A_1, %convert_element_type3A_4 : i32
    %ge3A_6 = arith.constant 21 : i32
    %ge3A_7 = arith.cmpi sge, %arg0, %ge3A_6 : i32
    %convert_element_type3A_8 = arith.extui %ge3A_7 : i1 to i32
    %add3A_9 = arith.addi %add3A_5, %convert_element_type3A_8 : i32
    %ge3A_10 = arith.constant 26 : i32
    %ge3A_11 = arith.cmpi sge, %arg0, %ge3A_10 : i32
    %convert_element_type3A_12 = arith.extui %ge3A_11 : i1 to i32
    %add3A_13 = arith.addi %add3A_9, %convert_element_type3A_12 : i32
    %ge3A_14 = arith.constant 30 : i32
    %ge3A_15 = arith.cmpi sge, %arg0, %ge3A_14 : i32
    %convert_element_type3A_16 = arith.extui %ge3A_15 : i1 to i32
    %add3A_17 = arith.addi %add3A_13, %convert_element_type3A_16 : i32
    %ge3A_18 = arith.constant 33 : i32
    %ge3A_19 = arith.cmpi sge, %arg0, %ge3A_18 : i32
    %convert_element_type3A_20 = arith.extui %ge3A_19 : i1 to i32
    %add3A_21 = arith.addi %add3A_17, %convert_element_type3A_20 : i32
    %ge3A_22 = arith.constant 35 : i32
    %ge3A_23 = arith.cmpi sge, %arg0, %ge3A_22 : i32
    %convert_element_type3A_24 = arith.extui %ge3A_23 : i1 to i32
    %add3A_25 = arith.addi %add3A_21, %convert_element_type3A_24 : i32
    %sub3A = arith.constant 17 : i32
    %sub3A_26 = arith.subi %sub3A, %add3A_25 : i32
    %mul3A = arith.muli %add3A_25, %sub3A_26 : i32
    %jit3A = arith.constant 2 : i32
    %div3A = arith.divsi %mul3A, %jit3A : i32
    %sign3A = arith.constant 0 : i32
    %sign3A_27 = arith.cmpi sgt, %mul3A, %sign3A : i32
    %sign3A_28 = arith.extui %sign3A_27 : i1 to i32
    %sign3A_29 = arith.constant 0 : i32
    %sign3A_30 = arith.cmpi slt, %mul3A, %sign3A_29 : i32
    %sign3A_31 = arith.extui %sign3A_30 : i1 to i32
    %sign3A_32 = arith.subi %sign3A_28, %sign3A_31 : i32
    %sign3A_33 = arith.constant 0 : i32
    %sign3A_34 = arith.cmpi sgt, %jit3A, %sign3A_33 : i32
    %sign3A_35 = arith.extui %sign3A_34 : i1 to i32
    %sign3A_36 = arith.constant 0 : i32
    %sign3A_37 = arith.cmpi slt, %jit3A, %sign3A_36 : i32
    %sign3A_38 = arith.extui %sign3A_37 : i1 to i32
    %sign3A_39 = arith.subi %sign3A_35, %sign3A_38 : i32
    %ne3A = arith.cmpi ne, %sign3A_32, %sign3A_39 : i32
    %rem3A = arith.remsi %mul3A, %jit3A : i32
    %ne3A_40 = arith.constant 0 : i32
    %ne3A_41 = arith.cmpi ne, %rem3A, %ne3A_40 : i32
    %and3A = arith.andi %ne3A, %ne3A_41 : i1
    %sub3A_42 = arith.constant 1 : i32
    %sub3A_43 = arith.subi %div3A, %sub3A_42 : i32
    %select_n3A = arith.select %and3A, %sub3A_43, %div3A : i32
    %sub3A_44 = arith.subi %arg0, %select_n3A : i32
    %add3A_45 = arith.addi %sub3A_44, %add3A_25 : i32
    %c0_i32 = arith.constant 0 : i32
    %c0_i32_46 = arith.constant 0 : i32
    return %add3A_45, %c0_i32 : i32, i32
  }
  func.func @transform_4(%arg0: i32) -> (i32, i32) {
    %c0_i32 = arith.constant 0 : i32
    %c0_i32_0 = arith.constant 0 : i32
    %c0_i32_1 = arith.constant 0 : i32
    return %c0_i32, %c0_i32_0 : i32, i32
  }
  func.func @transform_5(%arg0: i32) -> (i32, i32) {
    %c0_i32 = arith.constant 0 : i32
    %c0_i32_0 = arith.constant 0 : i32
    %c0_i32_1 = arith.constant 0 : i32
    return %c0_i32, %c0_i32_0 : i32, i32
  }
  func.func @transform_6(%arg0: i32) -> (i32, i32) {
    %c0_i32 = arith.constant 0 : i32
    %c0_i32_0 = arith.constant 0 : i32
    %c0_i32_1 = arith.constant 0 : i32
    return %c0_i32, %c0_i32_0 : i32, i32
  }
  func.func @transform_7(%arg0: i32) -> (i32, i32) {
    %c0_i32 = arith.constant 0 : i32
    %c0_i32_0 = arith.constant 0 : i32
    %c0_i32_1 = arith.constant 0 : i32
    return %c0_i32, %c0_i32_0 : i32, i32
  }
  func.func @transform_8(%arg0: i32) -> (i32, i32) {
    %c0_i32 = arith.constant 0 : i32
    %c0_i32_0 = arith.constant 0 : i32
    %c0_i32_1 = arith.constant 0 : i32
    return %c0_i32, %c0_i32_0 : i32, i32
  }
  func.func @transform_9(%arg0: i32) -> (i32, i32) {
    %c0_i32 = arith.constant 0 : i32
    %c0_i32_0 = arith.constant 0 : i32
    %c0_i32_1 = arith.constant 0 : i32
    return %c0_i32, %c0_i32_0 : i32, i32
  }
  func.func @transform_10(%arg0: i32) -> (i32, i32) {
    %c0_i32 = arith.constant 0 : i32
    %c0_i32_0 = arith.constant 0 : i32
    %c0_i32_1 = arith.constant 0 : i32
    return %c0_i32, %c0_i32_0 : i32, i32
  }
}

</mosaic_0001>

<sc_bundles>
// kernel: kernel.10.cloned.1.call-start
scs
__scs_entry_jumppad:
0x0: {  	(pc) =	sbr.rel $0x88, $3  }
0x1: {  	(tag) =	ssettag $0x0;
	lr =	simm.s32 $0x1  }
0x2: {  	[smem:$0x3F9A] =	sst lr;
	_ =	strace $0xD0000000  }
0x3: {  	_ = 	snop  }
0x4: {  	_ = 	snop  }
0x5: {  	_ = 	snop  }
0x6: {  	_ = 	snop  }
0x7: {  	_ = 	snop  }
__scs_overlays_trampoline_lowered:
0x8: {  	[smem:$0x3FA9] =	sst s0  }
0x9: {  	[smem:$0x3FAA] =	sst s1  }
0xa: {  	[smem:$0x3FAB] =	sst s2  }
0xb: {  	[smem:$0x3FAC] =	sst s3  }
0xc: {  	[smem:$0x3FAD] =	sst s4  }
0xd: {  	[smem:$0x3FAE] =	sst s5  }
0xe: {  	[smem:$0x3FAF] =	sst s6  }
0xf: {  	[smem:$0x3FB0] =	sst s7  }
0x10: {  	[smem:$0x3FB1] =	sst s8  }
0x11: {  	[smem:$0x3FB2] =	sst s9;
	s0 =	simm.s32 @!p0 $0x0  }
0x12: {  	s1 =	sld [smem:$0x3F98];
	s0 =	simm.s32 @p0 $0x1  }
0x13: {  	[smem:$0x3FB3] =	sst s0;
	s0 =	simm.s32 @!p1 $0x0  }
0x14: {  	s2 =	sld [smem:$0x3F97];
	s0 =	simm.s32 @p1 $0x1  }
0x15: {  	[smem:$0x3FB4] =	sst s0;
	s0 =	simm.s32 @!p2 $0x0  }
0x16: {  	s3 =	sld [smem:$0x3FDB];
	s0 =	simm.s32 @p2 $0x1  }
0x17: {  	s4 =	simm.s32 $0x1BF5;
	[smem:$0x3FB6] =	sst s0  }
0x18: {  	s0 =	sld [smem:$0x3F99];
	_ =	swait.ge [sflag:s4], $0x0  }
0x19: {  	s7 =	sld [smem:$0x3F9A]  }
0x1a: {  	s8 =	sadd.s32 $0xFFFFE003, lr  }
0x1b: {  	s9 =	sadd.s32 $0xFFFFFEF7, lr;
	s5 =	simm.s32 $0xFFFFFFFF;
	p2 =	slt.u32 s8, $0xFFFFF086  }
0x1c: {  	p1 =	slt.u32 s9, $0xF7A;
	s5 =	simm.s32 @!p2 $0x0  }
0x1d: {  	s5 =	simm.s32 @p1 $0x1;
	p0 =	seq.s32 s7, s2  }
0x1e: {  	s7 =	smul.u32 @!p0 $0xF7A, s2;
	p2 =	seq.s32 @!p0 s5, $0x0  }
0x1f: {  	s9 =	smul.u32 $0xF7A, s1;
	s8 =	simm.s32 @!p0 $0x1BF5;
	p2 =	por !p2, p0  }
0x20: {  	[sflag:s8] =	ssyncset.s32 @!p0 $0xFFFFF086;
	s6 =	sadd.s32 @!p0 s3, s7;
	s7 =	simm.s32 @!p0 $0x108  }
0x21: {  	s3 =	sadd.s32 s3, s9;
	s6 =	sadd.s32 @!p0 $0x88, s6;
	s7 =	simm.s32 @p2 $0x1082  }
0x22: {  	[simem:s7], [sflag:s8] =	dma.local @!p0 [hbm:s6], $0xF7A  }
0x23: {  	s9 =	sor.u32 $0xD0000000, s2;
	s6 =	simm.s32 $0x108;
	_ =	swait.ge @!p0 [sflag:s8], $0x0  }
0x24: {  	s3 =	sadd.s32 $0x88, s3;
	s6 =	simm.s32 @!p1 $0x1082;
	[sflag:s4] =	ssyncset.s32 $0xFFFFF086  }
0x25: {  	[simem:s6], [sflag:s4] =	dma.local [hbm:s3], $0xF7A  }
0x26: {  	[smem:$0x3F9A] =	sst s1;
	(tag) =	ssettag s2;
	_ =	strace s9  }
0x27: {  	s1 =	sld [smem:$0x3FAA]  }
0x28: {  	s2 =	sld [smem:$0x3FAB]  }
0x29: {  	s4 =	sld [smem:$0x3FAD]  }
0x2a: {  	p0 =	seq.s32 s5, $0x0;
	s5 =	sld [smem:$0x3FAE]  }
0x2b: {  	s6 =	sld [smem:$0x3FAF]  }
0x2c: {  	s7 =	sld [smem:$0x3FB0]  }
0x2d: {  	s3 =	simm.s32 $0x108;
	s8 =	sld [smem:$0x3FB1]  }
0x2e: {  	s3 =	simm.s32 @!p0 $0x1082;
	s9 =	sld [smem:$0x3FB2]  }
0x2f: {  	lr =	sadd.s32 s0, s3;
	s0 =	sld [smem:$0x3FA9]  }
0x30: {  	s3 =	sld [smem:$0x3FAC]  }
0x31: {  	[smem:$0x3FB5] =	sst s10  }
0x32: {  	s10 =	sld [smem:$0x3FB3];
	_ =	sdelay $0x3  }
0x33: {  	p0 =	seq.s32 s10, $0x1;
	s10 =	sld [smem:$0x3FB5];
	_ =	sdelay $0x3  }
0x34: {  	[smem:$0x3FB5] =	sst s10  }
0x35: {  	s10 =	sld [smem:$0x3FB4];
	_ =	sdelay $0x3  }
0x36: {  	p1 =	seq.s32 s10, $0x1;
	s10 =	sld [smem:$0x3FB5];
	_ =	sdelay $0x3  }
0x37: {  	[smem:$0x3FB5] =	sst s10  }
0x38: {  	s10 =	sld [smem:$0x3FB6]  }
0x39: {  	_ = 	snop;
	(pc) =	sbr.ind lr, $3  }
0x3a: {  	_ = 	snop  }
0x3b: {  	_ = 	snop  }
0x3c: {  	p2 =	seq.s32 s10, $0x1;
	s10 =	sld [smem:$0x3FB5]  }
0x3d: {  	_ =	shalt  }
0x3e: {  	_ =	shalt  }
0x3f: {  	_ =	shalt  }
0x40: {  	_ =	shalt  }
0x41: {  	_ =	shalt  }
0x42: {  	_ =	shalt  }
0x43: {  	_ =	shalt  }
0x44: {  	_ =	shalt  }
0x45: {  	_ =	shalt  }
0x46: {  	_ =	shalt  }
0x47: {  	_ =	shalt  }
0x48: {  	_ =	shalt  }
0x49: {  	_ =	shalt  }
0x4a: {  	_ =	shalt  }
0x4b: {  	_ =	shalt  }
0x4c: {  	_ =	shalt  }
0x4d: {  	_ =	shalt  }
0x4e: {  	_ =	shalt  }
0x4f: {  	_ =	shalt  }
0x50: {  	_ =	shalt  }
0x51: {  	_ =	shalt  }
0x52: {  	_ =	shalt  }
0x53: {  	_ =	shalt  }
0x54: {  	_ =	shalt  }
0x55: {  	_ =	shalt  }
0x56: {  	_ =	shalt  }
0x57: {  	_ =	shalt  }
0x58: {  	_ =	shalt  }
0x59: {  	_ =	shalt  }
0x5a: {  	_ =	shalt  }
0x5b: {  	_ =	shalt  }
0x5c: {  	_ =	shalt  }
0x5d: {  	_ =	shalt  }
0x5e: {  	_ =	shalt  }
0x5f: {  	_ =	shalt  }
0x60: {  	_ =	shalt  }
0x61: {  	_ =	shalt  }
0x62: {  	_ =	shalt  }
0x63: {  	_ =	shalt  }
0x64: {  	_ =	shalt  }
0x65: {  	_ =	shalt  }
0x66: {  	_ =	shalt  }
0x67: {  	_ =	shalt  }
0x68: {  	_ =	shalt  }
0x69: {  	_ =	shalt  }
0x6a: {  	_ =	shalt  }
0x6b: {  	_ =	shalt  }
0x6c: {  	_ =	shalt  }
0x6d: {  	_ =	shalt  }
0x6e: {  	_ =	shalt  }
0x6f: {  	_ =	shalt  }
0x70: {  	_ =	shalt  }
0x71: {  	_ =	shalt  }
0x72: {  	_ =	shalt  }
0x73: {  	_ =	shalt  }
0x74: {  	_ =	shalt  }
0x75: {  	_ =	shalt  }
0x76: {  	_ =	shalt  }
0x77: {  	_ =	shalt  }
0x78: {  	_ =	shalt  }
0x79: {  	_ =	shalt  }
0x7a: {  	_ =	shalt  }
0x7b: {  	_ =	shalt  }
0x7c: {  	_ =	shalt  }
0x7d: {  	_ =	shalt  }
0x7e: {  	_ =	shalt  }
0x7f: {  	_ =	shalt  }
0x80: {  	_ =	shalt  }
0x81: {  	_ =	shalt  }
0x82: {  	_ =	shalt  }
0x83: {  	_ =	shalt  }
0x84: {  	_ =	shalt  }
0x85: {  	_ =	shalt  }
0x86: {  	_ =	shalt  }
0x87: {  	_ =	shalt  }
.Lfunc_end0:
.L_simem_size_0:
called_computation.1_lowered:
.L_overlay_start_0:
0x88: {  	s2 =	sld [smem:$0x3FD9]  }
0x89: {  	s3 =	sld [smem:$0x3FFE];
	_ =	sdelay $0x1  }
0x8a: {  	s1 =	srdreg.scid  }
0x8b: {  	s0 =	sand.u32 $0x1, s1  }
0x8c: {  	s17 =	sshll.u32 s0, $0xA;
	s2 =	sadd.s32 s3, s2  }
0x8d: {  	s2 =	sadd.s32 s2, s17  }
0x8e: {  	[smem:$0x3FC1] =	sst s2  }
0x8f: {  	_ = 	snop  }
0x90: {  	s2 =	sld [smem:$0x3FD0];
	(tm) =	ssettm $0x1  }
0x91: {  	s18 =	sld [smem:$0x3FFB];
	_ =	sdelay $0x3  }
0x92: {  	_ =	strace s18  }
0x93: {  	s3 =	sld [smem:$0x3FFC];
	_ =	sdelay $0x3  }
0x94: {  	_ =	strace s3  }
0x95: {  	s3 =	sld [smem:$0x3FFD];
	_ =	sdelay $0x3  }
0x96: {  	_ =	strace s3  }
0x97: {  	_ =	strace $0x8FFFFFFF  }
0x98: {  	s19 =	sld [smem:$0x3FDB];
	_ =	sdelay $0x1  }
0x99: {  	s4 =	simm.s32 $_scs_section_size  }
0x9a: {  	s5 =	simm.s32 $_size__tile_overlayer_lowered;
	s6 =	simm.s32 $_tile_overlayer_lowered  }
0x9b: {  	s22 =	simm.s32 $0x1BFF;
	s21 =	sshll.u32 s6, $0x1;
	s3 =	sadd.s32 s4, s19  }
0x9c: {  	s7 =	simm.s32 $0x0;
	s20 =	sshll.u32 s5, $0x1;
	s5 =	sadd.s32 s21, s3  }
0x9d: {  	[timem:s7], [sflag:s22] =	dma.local [hbm:s5], s20  }
0x9e: {  	_ =	swait.ge [sflag:s22], s20  }
0x9f: {  	s4 =	ssub.s32 $0x0, s20;
	[sflag:s22] =	ssyncset.done $0x0  }
0xa0: {  	[sflag:s22] =	ssyncadd.s32 s4;
	_ =	sdelay $0x1  }
0xa1: {  	s23 =	simm.s32 $0x1B8B  }
0xa2: {  	_ =	swait.ge [sflag:s23], $0x1  }
0xa3: {  	[sflag:s23] =	ssyncset.done $0x0  }
0xa4: {  	s25 =	simm.s32 $0x1B8E;
	s24 =	sld [smem:$0x3FFE];
	[sflag:s23] =	ssyncadd.s32 $0xFFFFFFFF  }
0xa5: {  	s26 =	simm.s32 $execute0_lowered;
	[smem:$0x3FD2] =	sst s25  }
0xa6: {  	s5 =	sshll.u32 s26, $0x1;
	_ =	strace $0x80000049;
	[dreg:$0x1] =	wrdreg $0xFFFFFFFF  }
0xa7: {  	s28 =	simm.s32 $_size_execute0_lowered;
	s3 =	sadd.s32 s3, s5;
	[dreg:$0x0] =	wrdreg $0x0  }
0xa8: {  	s5 =	sshll.u32 s28, $0x1;
	[dreg:$0x2] =	wrdreg s3  }
0xa9: {  	[dreg:$0x3] =	wrdreg s5  }
0xaa: {  	[dreg:$0x4] =	wrdreg $0xC0  }
0xab: {  	_ =	task [dreg:s7], $0x5FFFF  }
0xac: {  	[dreg:$0x1] =	wrdreg $0xFFFFFFFF  }
0xad: {  	[dreg:$0x0] =	wrdreg $0x60  }
0xae: {  	[dreg:$0x2] =	wrdreg s24  }
0xaf: {  	[dreg:$0x3] =	wrdreg s2  }
0xb0: {  	[dreg:$0x4] =	wrdreg $0x9  }
0xb1: {  	_ =	task.clear_ibuf [dreg:s7], $0x5FFFF;
	_ =	strace $0x90000049  }
0xb2: {  	s29 =	simm.s32 $0x9;
	_ =	strace $0x8000004B  }
0xb3: {  	_ =	swait.ge [sflag:s29], $0x1  }
0xb4: {  	[sflag:s29] =	ssyncadd.s32 $0xFFFFFFFF  }
0xb5: {  	_ =	strace $0x9000004B  }
0xb6: {  	_ =	sfence  }
0xb7: {  	s30 =	sld [smem:$0x0];
	_ =	sdelay $0x2  }
0xb8: {  	s31 =	sshll.u32 s1, $0xD;
	s1 =	sshrl.u32 s1, $0x2  }
0xb9: {  	s3 =	sand.u32 $0x4000, s31;
	s1 =	sadd.s32 s1, s30  }
0xba: {  	s0 =	sor.u32 s3, s0;
	s1 =	sshll.u32 s1, $0x11  }
0xbb: {  	s0 =	sor.u32 s1, s0  }
0xbc: {  	s0 =	sadd.s32 $0x8F2B, s0  }
0xbd: {  	[sflag:s0] =	ssyncadd.remote.s32 $0x1  }
0xbe: {  	_ =	sfence.sel $0xFFFF  }
0xbf: {  	[dreg:$0x0] =	wrdreg $0xFFFFFFFF;
	(pc) =	sbr.abs _section_cstart, $3  }
0xc0: {  	[dreg:$0x1] =	wrdreg $0xFFFFFFFF  }
0xc1: {  	_ =	task.clear_ibuf [dreg:s7], $0x2FFFF;
	_ =	strace $0x9FFFFFFF  }
0xc2: {  	(tm) =	ssettm $0x7FFFFFFF  }
0xc3: {  	_ =	shalt  }
tec
execute0_lowered:
.L_overlay_start_1:
0x0: {  	(tag) =	ssettag $0x1  }
0x1: {  	s2 =	rddreg [dreg:$0x0]  }
0x2: {  	s3 =	rddreg [dreg:$0x1]  }
0x3: {  	s0 =	rddreg [dreg:$0x2];
	s4 =	simm.s32 $0x0;
	s1 =	stileid.u32  }
0x4: {  	s6 =	srdreg.scid;
	s12 =	simm.s32 $0x4000;
	s13 =	simm.s32 $0x1  }
0x5: {  	s14 =	simm.s32 $0x8000;
	s15 =	simm.s32 $0x2;
	s16 =	simm.s32 $0x80  }
0x6: {  	s17 =	simm.s32 $0x400;
	[smem:$0x7FF] =	sst s4;
	s5 =	sshll.u32 s1, $0xE  }
0x7: {  	s6 =	sand.u32 $0x1, s6;
	s7 =	sshll.u32 s1, $0x1;
	s5 =	sand.u32 $0x30000, s5  }
0x8: {  	_ =	strace $0x8000004A;
	s31 =	sor.u32 s6, s7;
	s6 =	ssub.s32 $0x2, s6  }
0x9: {  	s8 =	sadd.s32 s5, s2;
	s7 =	smul.u32 $0x9000, s31;
	s9 =	sshll.u32 s31, $0x4  }
0xa: {  	s10 =	sshrl.u32 s6, $0x1;
	s11 =	smul.u32 $0x48000, s31;
	s9 =	sand.u32 $0x70, s9  }
0xb: {  	s5 =	smul.u32 $0x240, s31;
	s10 =	ssub.s32 s6, s10;
	s8 =	sadd.s32 s9, s8  }
0xc: {  	s6 =	sadd.s32 s2, s7;
	s7 =	sadd.s32 $0x8000, s11;
	s9 =	smax.u32 s10, $0x1  }
0xd: {  	v0 =	vimm.s32 $0x0;
	s10 =	simm.s32 $0x18000;
	s11 =	simm.s32 $0x3;
	s8 =	sadd.s32 $0x120200, s8  }
.LBB2_1:
0xe: {  	s18 =	simm.s32 $0x40;
	s19 =	simm.s32 $0x0  }
.LBB2_2:
0xf: {  	p0 =	sne.s32 s18, $0x3FFC0;
	[tilespmem:s19+$0x8000] =	vst v0;
	s19 =	smov.u32 s18;
	s18 =	sadd.s32 $0x40, s18  }
.Ltmp0:
0x10: {  	(pc) =	sbr.rel @p0 .LBB2_2-.Ltmp0, $2  }
0x11: {  	_ =	sdelay $0x2  }
0x12: {  	s19 =	sshra.s32 s19, $0x2  }
0x13: {  	[tilespmem:s19+$0x8000] =	vst v0;
	s18 =	simm.s32 $0x0  }
0x14: {  	[tilespmem:s10], [sflag:$0x3] =	stream.linear.gather [hbm4b:s3+s18], $0x80, $0x38;
	[tilespmem:$0x18080] =	vst v63  }
0x15: {  	_ =	swait.ge [sflag:s11], $0x80  }
0x16: {  	[sflag:s11] =	ssyncset.done $0x0  }
0x17: {  	s19 =	simm.s32 $0x0;
	[sflag:s11] =	ssyncadd.s32 $0xFFFFFF80  }
0x18: {  	v1 =	vld [tilespmem:$0x18000];
	[tilespmem:s18], [sflag:$0x1] =	stream.linear.gather [hbm4b:s6+s18], $0x4000, $0x38  }
.LBB2_4:
0x19: {  	s20 =	sshll.u32 s19, $0x6  }
0x1a: {  	s21 =	sadd.s32 s5, s20  }
0x1b: {  	s20 =	sadd.s32 $0x20, s21  }
0x1c: {  	s22 =	sshll.u32 s20, $0x6  }
0x1d: {  	s22 =	sadd.s32 s2, s22  }
0x1e: {  	[tilespmem:s12], [sflag:$0x2] =	stream.linear.gather [hbm4b:s22+s18], $0x4000, $0x38;
	[tilespmem:$0x18080] =	vst v63  }
0x1f: {  	s28 =	sand.u32 $0x3000, s18;
	s23 =	sand.u32 $0x800, s18;
	_ =	swait.ge [sflag:s13], $0x4000  }
0x20: {  	s24 =	sand.u32 $0x380, s18;
	s22 =	sor.u32 s23, s28;
	[sflag:s13] =	ssyncset.done $0x0  }
0x21: {  	s22 =	sor.u32 s24, s22;
	[sflag:s13] =	ssyncadd.s32 $0xFFFFC000  }
0x22: {  	v2 =	vld [tilespmem:s22+$0x470]  }
0x23: {  	v3 =	vld [tilespmem:s22+$0x0]  }
0x24: {  	v4 =	vld [tilespmem:s22+$0x10]  }
0x25: {  	v5 =	vld [tilespmem:s22+$0x20]  }
0x26: {  	s29 =	sshrl.u32 s21, $0x9;
	v6 =	vld [tilespmem:s22+$0x30]  }
0x27: {  	s25 =	simm.s32 $0x1;
	s30 =	sand.u32 $0xEE00, s21;
	p0 =	seq.s32 s29, $0xF;
	v7 =	vld [tilespmem:s22+$0x40]  }
0x28: {  	p1 =	seq.s32 s30, $0x0;
	s25 =	simm.s32 @!p0 $0x2;
	v9 =	vld [tilespmem:s22+$0x50];
	v8 =	vshrl.u32 v2, $0x10  }
0x29: {  	s31 =	sand.u32 $0xF600, s21;
	p0 =	seq.s32 s29, $0x15;
	s25 =	simm.s32 @p1 $0x1;
	v50 =	vld [tilespmem:s22+$0x60];
	vm0 =	veq.s32 v8, v1  }
0x2a: {  	s21 =	sand.u32 $0xFA00, s21;
	p1 =	seq.s32 s31, $0x3400;
	s25 =	simm.s32 @p0 $0x1;
	v11 =	vld [tilespmem:s22+$0x70];
	v10 =	vand.u32 $0xFFFF, v2  }
0x2b: {  	p0 =	seq.s32 s21, $0x4200;
	s25 =	simm.s32 @p1 $0x1;
	v12 =	vld [tilespmem:s22+$0x400]  }
0x2c: {  	s25 =	simm.s32 @p0 $0x1;
	v14 =	vld [tilespmem:s22+$0x410];
	v13 =	vshrl.u32 v3, $0x10  }
0x2d: {  	v15 =	vld [tilespmem:s22+$0x420];
	v2 =	vmov s25;
	v51 =	vshrl.u32 v4, $0x10;
	vm1 =	veq.s32 v13, v1  }
0x2e: {  	v54 =	vld [tilespmem:s22+$0x430];
	v3 =	vand.u32 $0xFFFF, v3;
	v52 =	vshrl.u32 v5, $0x10;
	vm2 =	veq.s32 v51, v1  }
0x2f: {  	v4 =	vand.u32 $0xFFFF, v4;
	v53 =	vshrl.u32 v6, $0x10;
	[tilespmem:v10+s14+$0x0] =	vst.idx.add.s32.msk vm0, v2;
	vm0 =	veq.s32 v52, v1  }
0x30: {  	v16 =	vld [tilespmem:s22+$0x440];
	v5 =	vand.u32 $0xFFFF, v5;
	v55 =	vshrl.u32 v7, $0x10;
	vm3 =	veq.s32 v53, v1  }
0x31: {  	v17 =	vld [tilespmem:s22+$0x450];
	v6 =	vand.u32 $0xFFFF, v6;
	v57 =	vshrl.u32 v50, $0x10;
	vm4 =	veq.s32 v55, v1  }
0x32: {  	v18 =	vld [tilespmem:s22+$0x460];
	v7 =	vand.u32 $0xFFFF, v7;
	v58 =	vshrl.u32 v11, $0x10;
	vm6 =	veq.s32 v57, v1  }
0x33: {  	v59 =	vshrl.u32 v12, $0x10;
	[tilespmem:v3+s14+$0x0] =	vst.idx.add.s32.msk vm1, v2;
	v3 =	vand.u32 $0xFFFF, v50;
	vm1 =	veq.s32 v58, v1  }
0x34: {  	v60 =	vshrl.u32 v14, $0x10;
	[tilespmem:v4+s14+$0x0] =	vst.idx.add.s32.msk vm2, v2;
	v4 =	vand.u32 $0xFFFF, v11;
	vm2 =	veq.s32 v59, v1  }
0x35: {  	vm7 =	veq.s32 v60, v1;
	[tilespmem:v5+s14+$0x0] =	vst.idx.add.s32.msk vm0, v2;
	v5 =	vand.u32 $0xFFFF, v12  }
0x36: {  	v56 =	vshrl.u32 v9, $0x10;
	[tilespmem:v6+s14+$0x0] =	vst.idx.add.s32.msk vm3, v2;
	v6 =	vand.u32 $0xFFFF, v14  }
0x37: {  	v62 =	vshrl.u32 v54, $0x10;
	vm5 =	veq.s32 v56, v1;
	[tilespmem:v7+s14+$0x0] =	vst.idx.add.s32.msk vm4, v2  }
0x38: {  	v9 =	vand.u32 $0xFFFF, v9;
	v61 =	vshrl.u32 v15, $0x10;
	vm15 =	veq.s32 v62, v1;
	[tilespmem:v3+s14+$0x0] =	vst.idx.add.s32.msk vm6, v2  }
0x39: {  	v63 =	vand.u32 $0xFFFF, v54;
	vm3 =	veq.s32 v61, v1;
	[tilespmem:v4+s14+$0x0] =	vst.idx.add.s32.msk vm1, v2;
	v4 =	vshrl.u32 v16, $0x10  }
0x3a: {  	v7 =	vand.u32 $0xFFFF, v15;
	vm0 =	veq.s32 v4, v1;
	[tilespmem:v5+s14+$0x0] =	vst.idx.add.s32.msk vm2, v2;
	v5 =	vshrl.u32 v17, $0x10  }
0x3b: {  	v3 =	vand.u32 $0xFFFF, v16;
	[tilespmem:v6+s14+$0x0] =	vst.idx.add.s32.msk vm7, v2;
	v6 =	vshrl.u32 v18, $0x10;
	vm1 =	veq.s32 v5, v1  }
0x3c: {  	v4 =	vand.u32 $0xFFFF, v17;
	vm2 =	veq.s32 v6, v1  }
0x3d: {  	[tilespmem:v9+s14+$0x0] =	vst.idx.add.s32.msk vm5, v2;
	v5 =	vand.u32 $0xFFFF, v18  }
0x3e: {  	s23 =	simm.s32 $0x800;
	[tilespmem:v63+s14+$0x0] =	vst.idx.add.s32.msk vm15, v2  }
0x3f: {  	s21 =	simm.s32 $0x0;
	s24 =	simm.s32 $0x100;
	s22 =	simm.s32 $0x40;
	[tilespmem:v7+s14+$0x0] =	vst.idx.add.s32.msk vm3, v2  }
.LBB2_5:
0x40: {  	s25 =	sand.u32 $0x3000, s24;
	s26 =	sand.u32 $0x800, s23;
	s21 =	sadd.s32 $0x10, s21;
	[tilespmem:v3+s14+$0x0] =	vst.idx.add.s32.msk vm0, v2  }
0x41: {  	s28 =	sand.u32 $0x380, s22;
	s25 =	sor.u32 s26, s25;
	p0 =	slt.u32 s21, $0x3F0;
	[tilespmem:v4+s14+$0x0] =	vst.idx.add.s32.msk vm1, v2  }
0x42: {  	s25 =	sor.u32 s28, s25;
	[tilespmem:v5+s14+$0x0] =	vst.idx.add.s32.msk vm2, v2  }
0x43: {  	v3 =	vld [tilespmem:s25+$0x470]  }
0x44: {  	v4 =	vld [tilespmem:s25+$0x0]  }
0x45: {  	v5 =	vld [tilespmem:s25+$0x10]  }
0x46: {  	v6 =	vld [tilespmem:s25+$0x20]  }
0x47: {  	v7 =	vld [tilespmem:s25+$0x30]  }
0x48: {  	v8 =	vld [tilespmem:s25+$0x40];
	v9 =	vshrl.u32 v3, $0x10  }
0x49: {  	v10 =	vshrl.u32 v4, $0x10;
	v4 =	vand.u32 $0xFFFF, v4;
	v11 =	vld [tilespmem:s25+$0x50];
	vm6 =	veq.s32 v9, v1  }
0x4a: {  	v3 =	vand.u32 $0xFFFF, v3;
	vm0 =	veq.s32 v10, v1;
	v9 =	vshrl.u32 v5, $0x10;
	v10 =	vld [tilespmem:s25+$0x60]  }
0x4b: {  	v5 =	vand.u32 $0xFFFF, v5;
	vm1 =	veq.s32 v9, v1;
	v9 =	vshrl.u32 v6, $0x10;
	v12 =	vld [tilespmem:s25+$0x70]  }
0x4c: {  	v6 =	vand.u32 $0xFFFF, v6;
	vm2 =	veq.s32 v9, v1;
	v9 =	vshrl.u32 v7, $0x10;
	v13 =	vld [tilespmem:s25+$0x400]  }
0x4d: {  	v7 =	vand.u32 $0xFFFF, v7;
	vm3 =	veq.s32 v9, v1;
	v9 =	vshrl.u32 v8, $0x10;
	v14 =	vld [tilespmem:s25+$0x410]  }
0x4e: {  	v8 =	vand.u32 $0xFFFF, v8;
	vm4 =	veq.s32 v9, v1;
	v9 =	vshrl.u32 v11, $0x10;
	v15 =	vld [tilespmem:s25+$0x420]  }
0x4f: {  	vm5 =	veq.s32 v9, v1;
	v9 =	vand.u32 $0xFFFF, v11;
	v11 =	vshrl.u32 v10, $0x10;
	[tilespmem:v3+s14+$0x0] =	vst.idx.add.s32.msk vm6, v2  }
0x50: {  	v10 =	vand.u32 $0xFFFF, v10;
	vm6 =	veq.s32 v11, v1;
	v3 =	vshrl.u32 v12, $0x10;
	v11 =	vld [tilespmem:s25+$0x430]  }
0x51: {  	v12 =	vand.u32 $0xFFFF, v12;
	vm7 =	veq.s32 v3, v1;
	v3 =	vshrl.u32 v13, $0x10;
	v16 =	vld [tilespmem:s25+$0x440]  }
0x52: {  	v13 =	vand.u32 $0xFFFF, v13;
	vm8 =	veq.s32 v3, v1;
	v3 =	vshrl.u32 v14, $0x10;
	v17 =	vld [tilespmem:s25+$0x450]  }
0x53: {  	v14 =	vand.u32 $0xFFFF, v14;
	vm9 =	veq.s32 v3, v1;
	v3 =	vshrl.u32 v15, $0x10;
	v18 =	vld [tilespmem:s25+$0x460]  }
0x54: {  	v15 =	vand.u32 $0xFFFF, v15;
	[tilespmem:v4+s14+$0x0] =	vst.idx.add.s32.msk vm0, v2;
	vm10 =	veq.s32 v3, v1  }
0x55: {  	[tilespmem:v5+s14+$0x0] =	vst.idx.add.s32.msk vm1, v2;
	v3 =	vshrl.u32 v11, $0x10;
	v11 =	vand.u32 $0xFFFF, v11  }
0x56: {  	[tilespmem:v6+s14+$0x0] =	vst.idx.add.s32.msk vm2, v2;
	vm11 =	veq.s32 v3, v1;
	v4 =	vshrl.u32 v16, $0x10;
	v3 =	vand.u32 $0xFFFF, v16  }
0x57: {  	[tilespmem:v7+s14+$0x0] =	vst.idx.add.s32.msk vm3, v2;
	vm0 =	veq.s32 v4, v1;
	v5 =	vshrl.u32 v17, $0x10;
	v4 =	vand.u32 $0xFFFF, v17  }
0x58: {  	[tilespmem:v8+s14+$0x0] =	vst.idx.add.s32.msk vm4, v2;
	vm1 =	veq.s32 v5, v1;
	v6 =	vshrl.u32 v18, $0x10;
	v5 =	vand.u32 $0xFFFF, v18  }
0x59: {  	[tilespmem:v9+s14+$0x0] =	vst.idx.add.s32.msk vm5, v2;
	vm2 =	veq.s32 v6, v1  }
0x5a: {  	[tilespmem:v10+s14+$0x0] =	vst.idx.add.s32.msk vm6, v2  }
.Ltmp1:
0x5b: {  	[tilespmem:v12+s14+$0x0] =	vst.idx.add.s32.msk vm7, v2;
	(pc) =	sbr.rel @p0 .LBB2_5-.Ltmp1, $4  }
0x5c: {  	[tilespmem:v13+s14+$0x0] =	vst.idx.add.s32.msk vm8, v2  }
0x5d: {  	[tilespmem:v14+s14+$0x0] =	vst.idx.add.s32.msk vm9, v2  }
0x5e: {  	[tilespmem:v15+s14+$0x0] =	vst.idx.add.s32.msk vm10, v2  }
0x5f: {  	s22 =	sadd.s32 $0x40, s22;
	s23 =	sadd.s32 $0x800, s23;
	s24 =	sadd.s32 $0x100, s24;
	[tilespmem:v11+s14+$0x0] =	vst.idx.add.s32.msk vm11, v2  }
0x60: {  	_ =	sdelay $0x2  }
0x61: {  	p0 =	seq.s32 s19, $0x8  }
0x62: {  	s21 =	sshll.u32 @!p0 s19, $0xF  }
0x63: {  	[tilespmem:v3+s14+$0x0] =	vst.idx.add.s32.msk vm0, v2;
	s21 =	sadd.s32 @!p0 s21, s7  }
0x64: {  	[tilespmem:v4+s14+$0x0] =	vst.idx.add.s32.msk vm1, v2;
	s21 =	sshrl.u32 @!p0 s21, $0x3  }
0x65: {  	[tilespmem:v5+s14+$0x0] =	vst.idx.add.s32.msk vm2, v2;
	s25 =	simm.s32 $0x0;
	s22 =	simm.s32 @!p0 $0x0;
	s21 =	sadd.s32 @!p0 s2, s21  }
0x66: {  	[tilespmem:s22], [sflag:$0x1] =	stream.linear.gather @!p0 [hbm4b:s21+s22], $0x4000, $0x38;
	[tilespmem:$0x18080] =	vst v63  }
0x67: {  	s26 =	sand.u32 $0x3000, s25;
	s23 =	sand.u32 $0x800, s25;
	_ =	swait.ge [sflag:s15], $0x4000  }
0x68: {  	s21 =	sand.u32 $0x380, s25;
	s22 =	sor.u32 s23, s26;
	[sflag:s15] =	ssyncset.done $0x0  }
0x69: {  	s21 =	sor.u32 s21, s22;
	[sflag:s15] =	ssyncadd.s32 $0xFFFFC000  }
0x6a: {  	v2 =	vld [tilespmem:s21+$0x4470]  }
0x6b: {  	v3 =	vld [tilespmem:s21+$0x4000]  }
0x6c: {  	v4 =	vld [tilespmem:s21+$0x4010]  }
0x6d: {  	v5 =	vld [tilespmem:s21+$0x4020]  }
0x6e: {  	s28 =	sshrl.u32 s20, $0x9;
	v6 =	vld [tilespmem:s21+$0x4030]  }
0x6f: {  	s29 =	sand.u32 $0xEE00, s20;
	s24 =	simm.s32 $0x1;
	p0 =	seq.s32 s28, $0xF;
	v7 =	vld [tilespmem:s21+$0x4040]  }
0x70: {  	p1 =	seq.s32 s29, $0x0;
	s24 =	simm.s32 @!p0 $0x2;
	v9 =	vld [tilespmem:s21+$0x4050];
	v8 =	vshrl.u32 v2, $0x10  }
0x71: {  	s30 =	sand.u32 $0xF600, s20;
	p0 =	seq.s32 s28, $0x15;
	s24 =	simm.s32 @p1 $0x1;
	v50 =	vld [tilespmem:s21+$0x4060];
	vm0 =	veq.s32 v8, v1  }
0x72: {  	s31 =	sand.u32 $0xFA00, s20;
	p1 =	seq.s32 s30, $0x3400;
	s24 =	simm.s32 @p0 $0x1;
	v11 =	vld [tilespmem:s21+$0x4070];
	v10 =	vand.u32 $0xFFFF, v2  }
0x73: {  	p0 =	seq.s32 s31, $0x4200;
	s24 =	simm.s32 @p1 $0x1;
	v12 =	vld [tilespmem:s21+$0x4400]  }
0x74: {  	v14 =	vld [tilespmem:s21+$0x4410];
	s24 =	simm.s32 @p0 $0x1;
	v13 =	vshrl.u32 v3, $0x10  }
0x75: {  	v15 =	vld [tilespmem:s21+$0x4420];
	v2 =	vmov s24;
	v51 =	vshrl.u32 v4, $0x10;
	vm1 =	veq.s32 v13, v1  }
0x76: {  	v54 =	vld [tilespmem:s21+$0x4430];
	v3 =	vand.u32 $0xFFFF, v3;
	v52 =	vshrl.u32 v5, $0x10;
	vm2 =	veq.s32 v51, v1  }
0x77: {  	v4 =	vand.u32 $0xFFFF, v4;
	v53 =	vshrl.u32 v6, $0x10;
	[tilespmem:v10+s14+$0x0] =	vst.idx.add.s32.msk vm0, v2;
	vm0 =	veq.s32 v52, v1  }
0x78: {  	v16 =	vld [tilespmem:s21+$0x4440];
	v5 =	vand.u32 $0xFFFF, v5;
	v55 =	vshrl.u32 v7, $0x10;
	vm3 =	veq.s32 v53, v1  }
0x79: {  	v17 =	vld [tilespmem:s21+$0x4450];
	v6 =	vand.u32 $0xFFFF, v6;
	v57 =	vshrl.u32 v50, $0x10;
	vm4 =	veq.s32 v55, v1  }
0x7a: {  	v18 =	vld [tilespmem:s21+$0x4460];
	v7 =	vand.u32 $0xFFFF, v7;
	v58 =	vshrl.u32 v11, $0x10;
	vm6 =	veq.s32 v57, v1  }
0x7b: {  	v59 =	vshrl.u32 v12, $0x10;
	[tilespmem:v3+s14+$0x0] =	vst.idx.add.s32.msk vm1, v2;
	v3 =	vand.u32 $0xFFFF, v50;
	vm1 =	veq.s32 v58, v1  }
0x7c: {  	v60 =	vshrl.u32 v14, $0x10;
	[tilespmem:v4+s14+$0x0] =	vst.idx.add.s32.msk vm2, v2;
	v4 =	vand.u32 $0xFFFF, v11;
	vm2 =	veq.s32 v59, v1  }
0x7d: {  	vm7 =	veq.s32 v60, v1;
	[tilespmem:v5+s14+$0x0] =	vst.idx.add.s32.msk vm0, v2;
	v5 =	vand.u32 $0xFFFF, v12  }
0x7e: {  	v56 =	vshrl.u32 v9, $0x10;
	[tilespmem:v6+s14+$0x0] =	vst.idx.add.s32.msk vm3, v2;
	v6 =	vand.u32 $0xFFFF, v14  }
0x7f: {  	v62 =	vshrl.u32 v54, $0x10;
	vm5 =	veq.s32 v56, v1;
	[tilespmem:v7+s14+$0x0] =	vst.idx.add.s32.msk vm4, v2  }
0x80: {  	v9 =	vand.u32 $0xFFFF, v9;
	v61 =	vshrl.u32 v15, $0x10;
	vm15 =	veq.s32 v62, v1;
	[tilespmem:v3+s14+$0x0] =	vst.idx.add.s32.msk vm6, v2  }
0x81: {  	v63 =	vand.u32 $0xFFFF, v54;
	vm3 =	veq.s32 v61, v1;
	[tilespmem:v4+s14+$0x0] =	vst.idx.add.s32.msk vm1, v2;
	v4 =	vshrl.u32 v16, $0x10  }
0x82: {  	v7 =	vand.u32 $0xFFFF, v15;
	vm0 =	veq.s32 v4, v1;
	[tilespmem:v5+s14+$0x0] =	vst.idx.add.s32.msk vm2, v2;
	v5 =	vshrl.u32 v17, $0x10  }
0x83: {  	v3 =	vand.u32 $0xFFFF, v16;
	[tilespmem:v6+s14+$0x0] =	vst.idx.add.s32.msk vm7, v2;
	v6 =	vshrl.u32 v18, $0x10;
	vm1 =	veq.s32 v5, v1  }
0x84: {  	v4 =	vand.u32 $0xFFFF, v17;
	vm2 =	veq.s32 v6, v1  }
0x85: {  	[tilespmem:v9+s14+$0x0] =	vst.idx.add.s32.msk vm5, v2;
	v5 =	vand.u32 $0xFFFF, v18  }
0x86: {  	s20 =	simm.s32 $0x0;
	[tilespmem:v63+s14+$0x0] =	vst.idx.add.s32.msk vm15, v2  }
0x87: {  	s23 =	simm.s32 $0x100;
	s22 =	simm.s32 $0x800;
	s21 =	simm.s32 $0x40;
	[tilespmem:v7+s14+$0x0] =	vst.idx.add.s32.msk vm3, v2  }
.LBB2_7:
0x88: {  	s24 =	sand.u32 $0x3000, s23;
	s25 =	sand.u32 $0x800, s22;
	s20 =	sadd.s32 $0x10, s20;
	[tilespmem:v3+s14+$0x0] =	vst.idx.add.s32.msk vm0, v2  }
0x89: {  	s26 =	sand.u32 $0x380, s21;
	s24 =	sor.u32 s25, s24;
	p0 =	slt.u32 s20, $0x3F0;
	[tilespmem:v4+s14+$0x0] =	vst.idx.add.s32.msk vm1, v2  }
0x8a: {  	s24 =	sor.u32 s26, s24;
	[tilespmem:v5+s14+$0x0] =	vst.idx.add.s32.msk vm2, v2  }
0x8b: {  	v3 =	vld [tilespmem:s24+$0x4470]  }
0x8c: {  	v4 =	vld [tilespmem:s24+$0x4000]  }
0x8d: {  	v5 =	vld [tilespmem:s24+$0x4010]  }
0x8e: {  	v6 =	vld [tilespmem:s24+$0x4020]  }
0x8f: {  	v7 =	vld [tilespmem:s24+$0x4030]  }
0x90: {  	v8 =	vld [tilespmem:s24+$0x4040];
	v9 =	vshrl.u32 v3, $0x10  }
0x91: {  	v10 =	vshrl.u32 v4, $0x10;
	v4 =	vand.u32 $0xFFFF, v4;
	v11 =	vld [tilespmem:s24+$0x4050];
	vm6 =	veq.s32 v9, v1  }
0x92: {  	v3 =	vand.u32 $0xFFFF, v3;
	vm0 =	veq.s32 v10, v1;
	v9 =	vshrl.u32 v5, $0x10;
	v10 =	vld [tilespmem:s24+$0x4060]  }
0x93: {  	v5 =	vand.u32 $0xFFFF, v5;
	vm1 =	veq.s32 v9, v1;
	v9 =	vshrl.u32 v6, $0x10;
	v12 =	vld [tilespmem:s24+$0x4070]  }
0x94: {  	v6 =	vand.u32 $0xFFFF, v6;
	vm2 =	veq.s32 v9, v1;
	v9 =	vshrl.u32 v7, $0x10;
	v13 =	vld [tilespmem:s24+$0x4400]  }
0x95: {  	v7 =	vand.u32 $0xFFFF, v7;
	vm3 =	veq.s32 v9, v1;
	v9 =	vshrl.u32 v8, $0x10;
	v14 =	vld [tilespmem:s24+$0x4410]  }
0x96: {  	v8 =	vand.u32 $0xFFFF, v8;
	vm4 =	veq.s32 v9, v1;
	v9 =	vshrl.u32 v11, $0x10;
	v15 =	vld [tilespmem:s24+$0x4420]  }
0x97: {  	vm5 =	veq.s32 v9, v1;
	v9 =	vand.u32 $0xFFFF, v11;
	v11 =	vshrl.u32 v10, $0x10;
	[tilespmem:v3+s14+$0x0] =	vst.idx.add.s32.msk vm6, v2  }
0x98: {  	v10 =	vand.u32 $0xFFFF, v10;
	vm6 =	veq.s32 v11, v1;
	v3 =	vshrl.u32 v12, $0x10;
	v11 =	vld [tilespmem:s24+$0x4430]  }
0x99: {  	v12 =	vand.u32 $0xFFFF, v12;
	vm7 =	veq.s32 v3, v1;
	v3 =	vshrl.u32 v13, $0x10;
	v16 =	vld [tilespmem:s24+$0x4440]  }
0x9a: {  	v13 =	vand.u32 $0xFFFF, v13;
	vm8 =	veq.s32 v3, v1;
	v3 =	vshrl.u32 v14, $0x10;
	v17 =	vld [tilespmem:s24+$0x4450]  }
0x9b: {  	v14 =	vand.u32 $0xFFFF, v14;
	vm9 =	veq.s32 v3, v1;
	v3 =	vshrl.u32 v15, $0x10;
	v18 =	vld [tilespmem:s24+$0x4460]  }
0x9c: {  	v15 =	vand.u32 $0xFFFF, v15;
	[tilespmem:v4+s14+$0x0] =	vst.idx.add.s32.msk vm0, v2;
	vm10 =	veq.s32 v3, v1  }
0x9d: {  	[tilespmem:v5+s14+$0x0] =	vst.idx.add.s32.msk vm1, v2;
	v3 =	vshrl.u32 v11, $0x10;
	v11 =	vand.u32 $0xFFFF, v11  }
0x9e: {  	[tilespmem:v6+s14+$0x0] =	vst.idx.add.s32.msk vm2, v2;
	vm11 =	veq.s32 v3, v1;
	v4 =	vshrl.u32 v16, $0x10;
	v3 =	vand.u32 $0xFFFF, v16  }
0x9f: {  	[tilespmem:v7+s14+$0x0] =	vst.idx.add.s32.msk vm3, v2;
	vm0 =	veq.s32 v4, v1;
	v5 =	vshrl.u32 v17, $0x10;
	v4 =	vand.u32 $0xFFFF, v17  }
0xa0: {  	[tilespmem:v8+s14+$0x0] =	vst.idx.add.s32.msk vm4, v2;
	vm1 =	veq.s32 v5, v1;
	v6 =	vshrl.u32 v18, $0x10;
	v5 =	vand.u32 $0xFFFF, v18  }
0xa1: {  	[tilespmem:v9+s14+$0x0] =	vst.idx.add.s32.msk vm5, v2;
	vm2 =	veq.s32 v6, v1  }
0xa2: {  	[tilespmem:v10+s14+$0x0] =	vst.idx.add.s32.msk vm6, v2  }
.Ltmp2:
0xa3: {  	[tilespmem:v12+s14+$0x0] =	vst.idx.add.s32.msk vm7, v2;
	(pc) =	sbr.rel @p0 .LBB2_7-.Ltmp2, $4  }
0xa4: {  	[tilespmem:v13+s14+$0x0] =	vst.idx.add.s32.msk vm8, v2  }
0xa5: {  	[tilespmem:v14+s14+$0x0] =	vst.idx.add.s32.msk vm9, v2  }
0xa6: {  	[tilespmem:v15+s14+$0x0] =	vst.idx.add.s32.msk vm10, v2  }
0xa7: {  	s21 =	sadd.s32 $0x40, s21;
	s22 =	sadd.s32 $0x800, s22;
	s23 =	sadd.s32 $0x100, s23;
	[tilespmem:v11+s14+$0x0] =	vst.idx.add.s32.msk vm11, v2  }
0xa8: {  	_ = 	snop  }
0xa9: {  	s19 =	sadd.s32 $0x1, s19  }
0xaa: {  	p0 =	sne.s32 s19, $0x9  }
.Ltmp3:
0xab: {  	_ = 	snop;
	(pc) =	sbr.rel @p0 .LBB2_4-.Ltmp3, $4  }
0xac: {  	_ = 	snop  }
0xad: {  	[tilespmem:v3+s14+$0x0] =	vst.idx.add.s32.msk vm0, v2  }
0xae: {  	[tilespmem:v4+s14+$0x0] =	vst.idx.add.s32.msk vm1, v2  }
0xaf: {  	[tilespmem:v5+s14+$0x0] =	vst.idx.add.s32.msk vm2, v2  }
0xb0: {  	s4 =	sadd.s32 $0x1, s4  }
0xb1: {  	p0 =	sne.s32 s4, s9  }
.Ltmp4:
0xb2: {  	_ = 	snop;
	(pc) =	sbr.rel @p0 .LBB2_1-.Ltmp4, $4  }
0xb3: {  	[hbm4b:s8+s16] =	stream.strided.scatter [tilespmem:s14], [sflag:$0x3], $0x10000, s17, s16, $0x38;
	[tilespmem:$0x18080] =	vst v63  }
0xb4: {  	_ =	swait.ge [sflag:s11], $0x10000  }
0xb5: {  	[sflag:s11] =	ssyncset.done $0x0  }
0xb6: {  	[sflag:s11] =	ssyncadd.s32 $0xFFFF0000  }
0xb7: {  	_ =	sfence.sel $0x180000  }
0xb8: {  	[bflag:$0x0] =	sbarrier.arrive $0xFFFF  }
0xb9: {  	p0 =	sne.s32 s1, $0x0;
	_ =	strace $0x9000004A  }
0xba: {  	s0 =	sadd.s32 @!p0 $0x100000, s0;
	[bflag:$0x2] =	sbarrier.arrive $0xFFFF  }
0xbb: {  	[sflag:s0] =	ssyncadd.tile.s32 @!p0 $0x1;
	_ =	shalt  }
.Lfunc_end2:
_tile_overlayer_lowered:
.L_overlay_start_2:
0xbc: {  	(tag) =	ssettag $0x2  }
0xbd: {  	s0 =	rddreg [dreg:$0x0];
	s2 =	stileid.u32  }
0xbe: {  	s1 =	rddreg [dreg:$0x1];
	p0 =	sne.s32 s2, $0x0  }
0xbf: {  	s3 =	rddreg [dreg:$0x2];
	[bflag:$0x3] =	sbarrier.arrive $0xFFFF;
	s2 =	simm.s32 @!p0 $0x1C03  }
0xc0: {  	[timem:s3], [sflag:s2] =	dma.local @!p0 [hbm:s0], s1  }
0xc1: {  	s0 =	simm.s32 @!p0 $0x3  }
0xc2: {  	_ =	swait.ge @!p0 [sflag:s0], s1  }
0xc3: {  	s1 =	ssub.s32 @!p0 $0x0, s1;
	[sflag:s0] =	ssyncset.done @!p0 $0x0  }
0xc4: {  	[sflag:s0] =	ssyncadd.s32 @!p0 s1  }
0xc5: {  	[bflag:$0x3] =	sbarrier.arrive $0xFFFF  }
0xc6: {  	_ =	shalt  }

// kernel: kernel.7.cloned.1.call-start
scs
__scs_entry_jumppad:
0x0: {  	(pc) =	sbr.rel $0x88, $3  }
0x1: {  	(tag) =	ssettag $0x0;
	lr =	simm.s32 $0x1  }
0x2: {  	[smem:$0x3F9A] =	sst lr;
	_ =	strace $0xD0000000  }
0x3: {  	_ = 	snop  }
0x4: {  	_ = 	snop  }
0x5: {  	_ = 	snop  }
0x6: {  	_ = 	snop  }
0x7: {  	_ = 	snop  }
__scs_overlays_trampoline_lowered:
0x8: {  	[smem:$0x3FA9] =	sst s0  }
0x9: {  	[smem:$0x3FAA] =	sst s1  }
0xa: {  	[smem:$0x3FAB] =	sst s2  }
0xb: {  	[smem:$0x3FAC] =	sst s3  }
0xc: {  	[smem:$0x3FAD] =	sst s4  }
0xd: {  	[smem:$0x3FAE] =	sst s5  }
0xe: {  	[smem:$0x3FAF] =	sst s6  }
0xf: {  	[smem:$0x3FB0] =	sst s7  }
0x10: {  	[smem:$0x3FB1] =	sst s8  }
0x11: {  	[smem:$0x3FB2] =	sst s9;
	s0 =	simm.s32 @!p0 $0x0  }
0x12: {  	s1 =	sld [smem:$0x3F98];
	s0 =	simm.s32 @p0 $0x1  }
0x13: {  	[smem:$0x3FB3] =	sst s0;
	s0 =	simm.s32 @!p1 $0x0  }
0x14: {  	s2 =	sld [smem:$0x3F97];
	s0 =	simm.s32 @p1 $0x1  }
0x15: {  	[smem:$0x3FB4] =	sst s0;
	s0 =	simm.s32 @!p2 $0x0  }
0x16: {  	s3 =	sld [smem:$0x3FDB];
	s0 =	simm.s32 @p2 $0x1  }
0x17: {  	s4 =	simm.s32 $0x1BF5;
	[smem:$0x3FB6] =	sst s0  }
0x18: {  	s0 =	sld [smem:$0x3F99];
	_ =	swait.ge [sflag:s4], $0x0  }
0x19: {  	s7 =	sld [smem:$0x3F9A]  }
0x1a: {  	s8 =	sadd.s32 $0xFFFFE003, lr  }
0x1b: {  	s9 =	sadd.s32 $0xFFFFFEF7, lr;
	s5 =	simm.s32 $0xFFFFFFFF;
	p2 =	slt.u32 s8, $0xFFFFF086  }
0x1c: {  	p1 =	slt.u32 s9, $0xF7A;
	s5 =	simm.s32 @!p2 $0x0  }
0x1d: {  	s5 =	simm.s32 @p1 $0x1;
	p0 =	seq.s32 s7, s2  }
0x1e: {  	s7 =	smul.u32 @!p0 $0xF7A, s2;
	p2 =	seq.s32 @!p0 s5, $0x0  }
0x1f: {  	s9 =	smul.u32 $0xF7A, s1;
	s8 =	simm.s32 @!p0 $0x1BF5;
	p2 =	por !p2, p0  }
0x20: {  	[sflag:s8] =	ssyncset.s32 @!p0 $0xFFFFF086;
	s6 =	sadd.s32 @!p0 s3, s7;
	s7 =	simm.s32 @!p0 $0x108  }
0x21: {  	s3 =	sadd.s32 s3, s9;
	s6 =	sadd.s32 @!p0 $0x88, s6;
	s7 =	simm.s32 @p2 $0x1082  }
0x22: {  	[simem:s7], [sflag:s8] =	dma.local @!p0 [hbm:s6], $0xF7A  }
0x23: {  	s9 =	sor.u32 $0xD0000000, s2;
	s6 =	simm.s32 $0x108;
	_ =	swait.ge @!p0 [sflag:s8], $0x0  }
0x24: {  	s3 =	sadd.s32 $0x88, s3;
	s6 =	simm.s32 @!p1 $0x1082;
	[sflag:s4] =	ssyncset.s32 $0xFFFFF086  }
0x25: {  	[simem:s6], [sflag:s4] =	dma.local [hbm:s3], $0xF7A  }
0x26: {  	[smem:$0x3F9A] =	sst s1;
	(tag) =	ssettag s2;
	_ =	strace s9  }
0x27: {  	s1 =	sld [smem:$0x3FAA]  }
0x28: {  	s2 =	sld [smem:$0x3FAB]  }
0x29: {  	s4 =	sld [smem:$0x3FAD]  }
0x2a: {  	p0 =	seq.s32 s5, $0x0;
	s5 =	sld [smem:$0x3FAE]  }
0x2b: {  	s6 =	sld [smem:$0x3FAF]  }
0x2c: {  	s7 =	sld [smem:$0x3FB0]  }
0x2d: {  	s3 =	simm.s32 $0x108;
	s8 =	sld [smem:$0x3FB1]  }
0x2e: {  	s3 =	simm.s32 @!p0 $0x1082;
	s9 =	sld [smem:$0x3FB2]  }
0x2f: {  	lr =	sadd.s32 s0, s3;
	s0 =	sld [smem:$0x3FA9]  }
0x30: {  	s3 =	sld [smem:$0x3FAC]  }
0x31: {  	[smem:$0x3FB5] =	sst s10  }
0x32: {  	s10 =	sld [smem:$0x3FB3];
	_ =	sdelay $0x3  }
0x33: {  	p0 =	seq.s32 s10, $0x1;
	s10 =	sld [smem:$0x3FB5];
	_ =	sdelay $0x3  }
0x34: {  	[smem:$0x3FB5] =	sst s10  }
0x35: {  	s10 =	sld [smem:$0x3FB4];
	_ =	sdelay $0x3  }
0x36: {  	p1 =	seq.s32 s10, $0x1;
	s10 =	sld [smem:$0x3FB5];
	_ =	sdelay $0x3  }
0x37: {  	[smem:$0x3FB5] =	sst s10  }
0x38: {  	s10 =	sld [smem:$0x3FB6]  }
0x39: {  	_ = 	snop;
	(pc) =	sbr.ind lr, $3  }
0x3a: {  	_ = 	snop  }
0x3b: {  	_ = 	snop  }
0x3c: {  	p2 =	seq.s32 s10, $0x1;
	s10 =	sld [smem:$0x3FB5]  }
0x3d: {  	_ =	shalt  }
0x3e: {  	_ =	shalt  }
0x3f: {  	_ =	shalt  }
0x40: {  	_ =	shalt  }
0x41: {  	_ =	shalt  }
0x42: {  	_ =	shalt  }
0x43: {  	_ =	shalt  }
0x44: {  	_ =	shalt  }
0x45: {  	_ =	shalt  }
0x46: {  	_ =	shalt  }
0x47: {  	_ =	shalt  }
0x48: {  	_ =	shalt  }
0x49: {  	_ =	shalt  }
0x4a: {  	_ =	shalt  }
0x4b: {  	_ =	shalt  }
0x4c: {  	_ =	shalt  }
0x4d: {  	_ =	shalt  }
0x4e: {  	_ =	shalt  }
0x4f: {  	_ =	shalt  }
0x50: {  	_ =	shalt  }
0x51: {  	_ =	shalt  }
0x52: {  	_ =	shalt  }
0x53: {  	_ =	shalt  }
0x54: {  	_ =	shalt  }
0x55: {  	_ =	shalt  }
0x56: {  	_ =	shalt  }
0x57: {  	_ =	shalt  }
0x58: {  	_ =	shalt  }
0x59: {  	_ =	shalt  }
0x5a: {  	_ =	shalt  }
0x5b: {  	_ =	shalt  }
0x5c: {  	_ =	shalt  }
0x5d: {  	_ =	shalt  }
0x5e: {  	_ =	shalt  }
0x5f: {  	_ =	shalt  }
0x60: {  	_ =	shalt  }
0x61: {  	_ =	shalt  }
0x62: {  	_ =	shalt  }
0x63: {  	_ =	shalt  }
0x64: {  	_ =	shalt  }
0x65: {  	_ =	shalt  }
0x66: {  	_ =	shalt  }
0x67: {  	_ =	shalt  }
0x68: {  	_ =	shalt  }
0x69: {  	_ =	shalt  }
0x6a: {  	_ =	shalt  }
0x6b: {  	_ =	shalt  }
0x6c: {  	_ =	shalt  }
0x6d: {  	_ =	shalt  }
0x6e: {  	_ =	shalt  }
0x6f: {  	_ =	shalt  }
0x70: {  	_ =	shalt  }
0x71: {  	_ =	shalt  }
0x72: {  	_ =	shalt  }
0x73: {  	_ =	shalt  }
0x74: {  	_ =	shalt  }
0x75: {  	_ =	shalt  }
0x76: {  	_ =	shalt  }
0x77: {  	_ =	shalt  }
0x78: {  	_ =	shalt  }
0x79: {  	_ =	shalt  }
0x7a: {  	_ =	shalt  }
0x7b: {  	_ =	shalt  }
0x7c: {  	_ =	shalt  }
0x7d: {  	_ =	shalt  }
0x7e: {  	_ =	shalt  }
0x7f: {  	_ =	shalt  }
0x80: {  	_ =	shalt  }
0x81: {  	_ =	shalt  }
0x82: {  	_ =	shalt  }
0x83: {  	_ =	shalt  }
0x84: {  	_ =	shalt  }
0x85: {  	_ =	shalt  }
0x86: {  	_ =	shalt  }
0x87: {  	_ =	shalt  }
.Lfunc_end0:
.L_simem_size_0:
called_computation_lowered:
.L_overlay_start_0:
0x88: {  	s2 =	sld [smem:$0x3FD9]  }
0x89: {  	s3 =	sld [smem:$0x3FFE];
	_ =	sdelay $0x1  }
0x8a: {  	s1 =	srdreg.scid  }
0x8b: {  	s0 =	sand.u32 $0x1, s1  }
0x8c: {  	s16 =	sshll.u32 s0, $0xA;
	s2 =	sadd.s32 s3, s2  }
0x8d: {  	s2 =	sadd.s32 s2, s16  }
0x8e: {  	[smem:$0x3FC1] =	sst s2  }
0x8f: {  	_ = 	snop  }
0x90: {  	(tm) =	ssettm $0x1  }
0x91: {  	s17 =	sld [smem:$0x3FFB];
	_ =	sdelay $0x3  }
0x92: {  	_ =	strace s17  }
0x93: {  	s2 =	sld [smem:$0x3FFC];
	_ =	sdelay $0x3  }
0x94: {  	_ =	strace s2  }
0x95: {  	s2 =	sld [smem:$0x3FFD];
	_ =	sdelay $0x3  }
0x96: {  	_ =	strace s2  }
0x97: {  	_ =	strace $0x8FFFFFFF  }
0x98: {  	s18 =	sld [smem:$0x3FDB];
	_ =	sdelay $0x1  }
0x99: {  	s19 =	simm.s32 $_scs_section_size  }
0x9a: {  	s4 =	simm.s32 $_size__tile_overlayer_lowered;
	s5 =	simm.s32 $_tile_overlayer_lowered  }
0x9b: {  	s22 =	simm.s32 $0x1BFF;
	s21 =	sshll.u32 s5, $0x1;
	s2 =	sadd.s32 s19, s18  }
0x9c: {  	s6 =	simm.s32 $0x0;
	s20 =	sshll.u32 s4, $0x1;
	s4 =	sadd.s32 s21, s2  }
0x9d: {  	[timem:s6], [sflag:s22] =	dma.local [hbm:s4], s20  }
0x9e: {  	_ =	swait.ge [sflag:s22], s20  }
0x9f: {  	s3 =	ssub.s32 $0x0, s20;
	[sflag:s22] =	ssyncset.done $0x0  }
0xa0: {  	[sflag:s22] =	ssyncadd.s32 s3;
	_ =	sdelay $0x1  }
0xa1: {  	s23 =	simm.s32 $0x1B8B  }
0xa2: {  	_ =	swait.ge [sflag:s23], $0x1  }
0xa3: {  	[sflag:s23] =	ssyncset.done $0x0  }
0xa4: {  	s25 =	simm.s32 $0x1B8E;
	s24 =	sld [smem:$0x3FFE];
	[sflag:s23] =	ssyncadd.s32 $0xFFFFFFFF  }
0xa5: {  	s26 =	simm.s32 $execute0_lowered;
	[smem:$0x3FD2] =	sst s25  }
0xa6: {  	s4 =	sshll.u32 s26, $0x1;
	_ =	strace $0x80000046;
	[dreg:$0x1] =	wrdreg $0xFFFFFFFF  }
0xa7: {  	s28 =	simm.s32 $_size_execute0_lowered;
	s2 =	sadd.s32 s2, s4;
	[dreg:$0x0] =	wrdreg $0x0  }
0xa8: {  	s4 =	sshll.u32 s28, $0x1;
	[dreg:$0x2] =	wrdreg s2  }
0xa9: {  	[dreg:$0x3] =	wrdreg s4  }
0xaa: {  	[dreg:$0x4] =	wrdreg $0xC0  }
0xab: {  	_ =	task [dreg:s6], $0x5FFFF  }
0xac: {  	[dreg:$0x1] =	wrdreg $0xFFFFFFFF  }
0xad: {  	[dreg:$0x0] =	wrdreg $0x60  }
0xae: {  	[dreg:$0x2] =	wrdreg s24  }
0xaf: {  	[dreg:$0x3] =	wrdreg $0x9  }
0xb0: {  	_ =	task.clear_ibuf [dreg:s6], $0x4FFFF;
	_ =	strace $0x90000046  }
0xb1: {  	s29 =	simm.s32 $0x9;
	_ =	strace $0x80000048  }
0xb2: {  	_ =	swait.ge [sflag:s29], $0x1  }
0xb3: {  	[sflag:s29] =	ssyncadd.s32 $0xFFFFFFFF  }
0xb4: {  	_ =	strace $0x90000048  }
0xb5: {  	_ =	sfence  }
0xb6: {  	s30 =	sld [smem:$0x0];
	_ =	sdelay $0x2  }
0xb7: {  	s31 =	sshll.u32 s1, $0xD;
	s1 =	sshrl.u32 s1, $0x2  }
0xb8: {  	s3 =	sand.u32 $0x4000, s31;
	s1 =	sadd.s32 s1, s30  }
0xb9: {  	s0 =	sor.u32 s3, s0;
	s1 =	sshll.u32 s1, $0x11  }
0xba: {  	s0 =	sor.u32 s1, s0  }
0xbb: {  	s0 =	sadd.s32 $0x8F2B, s0  }
0xbc: {  	[sflag:s0] =	ssyncadd.remote.s32 $0x1  }
0xbd: {  	_ =	sfence.sel $0xFFFF  }
0xbe: {  	[dreg:$0x0] =	wrdreg $0xFFFFFFFF;
	(pc) =	sbr.abs _section_cstart, $3  }
0xbf: {  	[dreg:$0x1] =	wrdreg $0xFFFFFFFF  }
0xc0: {  	_ =	task.clear_ibuf [dreg:s6], $0x2FFFF;
	_ =	strace $0x9FFFFFFF  }
0xc1: {  	(tm) =	ssettm $0x7FFFFFFF  }
tec
execute0_lowered:
.L_overlay_start_1:
0x0: {  	(tag) =	ssettag $0x1  }
0x1: {  	s2 =	rddreg [dreg:$0x0]  }
0x2: {  	s0 =	rddreg [dreg:$0x1];
	s3 =	simm.s32 $0x0  }
0x3: {  	s1 =	stileid.u32;
	s4 =	srdreg.scid;
	s11 =	simm.s32 $0x8000  }
0x4: {  	s12 =	simm.s32 $0x2;
	s13 =	simm.s32 $0x80;
	s14 =	simm.s32 $0x400  }
0x5: {  	s15 =	simm.s32 $0x3;
	[smem:$0x7FF] =	sst s3;
	s5 =	sshll.u32 s1, $0xD  }
0x6: {  	s4 =	sand.u32 $0x1, s4;
	s6 =	sshll.u32 s1, $0x1;
	_ =	strace $0x80000047  }
0x7: {  	s5 =	sand.u32 $0x18000, s5;
	s6 =	sor.u32 s4, s6;
	s4 =	ssub.s32 $0x2, s4  }
0x8: {  	s7 =	sadd.s32 s5, s2;
	s31 =	smul.u32 $0x9000, s6;
	s8 =	sshrl.u32 s4, $0x1  }
0x9: {  	s9 =	smul.u32 $0x48000, s6;
	s10 =	sshll.u32 s6, $0x4;
	s8 =	ssub.s32 s4, s8  }
0xa: {  	s4 =	smul.u32 $0x240, s6;
	s10 =	sand.u32 $0x70, s10;
	s5 =	sadd.s32 s2, s31  }
0xb: {  	s6 =	sadd.s32 $0x8000, s9;
	s7 =	sadd.s32 s10, s7;
	s8 =	smax.u32 s8, $0x1  }
0xc: {  	v0 =	vimm.s32 $0x0;
	s9 =	simm.s32 $0x4000;
	s10 =	simm.s32 $0x1;
	s7 =	sadd.s32 $0x120000, s7  }
.LBB2_1:
0xd: {  	s16 =	simm.s32 $0x40;
	s17 =	simm.s32 $0x0  }
.LBB2_2:
0xe: {  	p0 =	sne.s32 s16, $0x1FFC0;
	[tilespmem:s17+$0x8000] =	vst v0;
	s17 =	smov.u32 s16;
	s16 =	sadd.s32 $0x40, s16  }
.Ltmp0:
0xf: {  	(pc) =	sbr.rel @p0 .LBB2_2-.Ltmp0, $2  }
0x10: {  	_ =	sdelay $0x2  }
0x11: {  	s17 =	sshra.s32 s17, $0x2  }
0x12: {  	[tilespmem:s17+$0x8000] =	vst v0;
	s16 =	simm.s32 $0x0;
	s17 =	simm.s32 $0x0  }
0x13: {  	[tilespmem:s16], [sflag:$0x1] =	stream.linear.gather [hbm4b:s5+s16], $0x4000, $0x38;
	[tilespmem:$0x10000] =	vst v63  }
.LBB2_4:
0x14: {  	s18 =	sshll.u32 s17, $0x6  }
0x15: {  	s19 =	sadd.s32 s4, s18  }
0x16: {  	s18 =	sadd.s32 $0x20, s19  }
0x17: {  	s20 =	sshll.u32 s18, $0x6  }
0x18: {  	s20 =	sadd.s32 s2, s20  }
0x19: {  	[tilespmem:s9], [sflag:$0x2] =	stream.linear.gather [hbm4b:s20+s16], $0x4000, $0x38;
	[tilespmem:$0x10000] =	vst v63  }
0x1a: {  	s28 =	sand.u32 $0x3000, s16;
	s21 =	sand.u32 $0x800, s16;
	_ =	swait.ge [sflag:s10], $0x4000  }
0x1b: {  	s22 =	sand.u32 $0x380, s16;
	s20 =	sor.u32 s21, s28;
	[sflag:s10] =	ssyncset.done $0x0  }
0x1c: {  	s20 =	sor.u32 s22, s20;
	[sflag:s10] =	ssyncadd.s32 $0xFFFFC000  }
0x1d: {  	v1 =	vld [tilespmem:s20+$0x470]  }
0x1e: {  	v2 =	vld [tilespmem:s20+$0x0]  }
0x1f: {  	v3 =	vld [tilespmem:s20+$0x10]  }
0x20: {  	v4 =	vld [tilespmem:s20+$0x20]  }
0x21: {  	v5 =	vld [tilespmem:s20+$0x30]  }
0x22: {  	v6 =	vld [tilespmem:s20+$0x40]  }
0x23: {  	v8 =	vld [tilespmem:s20+$0x50]  }
0x24: {  	s29 =	sshrl.u32 s19, $0x9;
	v9 =	vld [tilespmem:s20+$0x60]  }
0x25: {  	s23 =	simm.s32 $0x1;
	s30 =	sand.u32 $0xEE00, s19;
	p0 =	seq.s32 s29, $0xF;
	v10 =	vld [tilespmem:s20+$0x70]  }
0x26: {  	p1 =	seq.s32 s30, $0x0;
	s23 =	simm.s32 @!p0 $0x2;
	v11 =	vld [tilespmem:s20+$0x400]  }
0x27: {  	s31 =	sand.u32 $0xF600, s19;
	p0 =	seq.s32 s29, $0x15;
	s23 =	simm.s32 @p1 $0x1;
	v12 =	vld [tilespmem:s20+$0x420];
	v7 =	vshrl.u32 v1, $0x10  }
0x28: {  	s19 =	sand.u32 $0xFA00, s19;
	p1 =	seq.s32 s31, $0x3400;
	s23 =	simm.s32 @p0 $0x1;
	v13 =	vld [tilespmem:s20+$0x430]  }
0x29: {  	p0 =	seq.s32 s19, $0x4200;
	s23 =	simm.s32 @p1 $0x1;
	v14 =	vld [tilespmem:s20+$0x440];
	v2 =	vshrl.u32 v2, $0x10  }
0x2a: {  	s23 =	simm.s32 @p0 $0x1;
	v15 =	vld [tilespmem:s20+$0x450];
	v3 =	vshrl.u32 v3, $0x10  }
0x2b: {  	v16 =	vld [tilespmem:s20+$0x460];
	v1 =	vmov s23;
	v4 =	vshrl.u32 v4, $0x10  }
0x2c: {  	v5 =	vshrl.u32 v5, $0x10;
	[tilespmem:v7+s11+$0x0] =	vst.idx.add.s32.msk $0xffff, v1  }
0x2d: {  	v6 =	vshrl.u32 v6, $0x10;
	v7 =	vld [tilespmem:s20+$0x410]  }
0x2e: {  	v8 =	vshrl.u32 v8, $0x10;
	[tilespmem:v2+s11+$0x0] =	vst.idx.add.s32.msk $0xffff, v1  }
0x2f: {  	v2 =	vshrl.u32 v9, $0x10;
	[tilespmem:v3+s11+$0x0] =	vst.idx.add.s32.msk $0xffff, v1  }
0x30: {  	[tilespmem:v4+s11+$0x0] =	vst.idx.add.s32.msk $0xffff, v1;
	v4 =	vshrl.u32 v11, $0x10  }
0x31: {  	v3 =	vshrl.u32 v10, $0x10;
	[tilespmem:v5+s11+$0x0] =	vst.idx.add.s32.msk $0xffff, v1  }
0x32: {  	[tilespmem:v6+s11+$0x0] =	vst.idx.add.s32.msk $0xffff, v1;
	v6 =	vshrl.u32 v12, $0x10  }
0x33: {  	[tilespmem:v8+s11+$0x0] =	vst.idx.add.s32.msk $0xffff, v1;
	v5 =	vshrl.u32 v7, $0x10  }
0x34: {  	v7 =	vshrl.u32 v13, $0x10;
	[tilespmem:v2+s11+$0x0] =	vst.idx.add.s32.msk $0xffff, v1  }
0x35: {  	[tilespmem:v4+s11+$0x0] =	vst.idx.add.s32.msk $0xffff, v1;
	v4 =	vshrl.u32 v14, $0x10  }
0x36: {  	[tilespmem:v3+s11+$0x0] =	vst.idx.add.s32.msk $0xffff, v1;
	v3 =	vshrl.u32 v15, $0x10  }
0x37: {  	[tilespmem:v6+s11+$0x0] =	vst.idx.add.s32.msk $0xffff, v1;
	v2 =	vshrl.u32 v16, $0x10  }
0x38: {  	s21 =	simm.s32 $0x800;
	[tilespmem:v5+s11+$0x0] =	vst.idx.add.s32.msk $0xffff, v1  }
0x39: {  	s19 =	simm.s32 $0x0;
	s22 =	simm.s32 $0x100;
	s20 =	simm.s32 $0x40;
	[tilespmem:v7+s11+$0x0] =	vst.idx.add.s32.msk $0xffff, v1  }
.LBB2_5:
0x3a: {  	s23 =	sand.u32 $0x3000, s22;
	s24 =	sand.u32 $0x800, s21;
	s19 =	sadd.s32 $0x10, s19;
	[tilespmem:v4+s11+$0x0] =	vst.idx.add.s32.msk $0xffff, v1  }
0x3b: {  	s25 =	sand.u32 $0x380, s20;
	s23 =	sor.u32 s24, s23;
	p0 =	slt.u32 s19, $0x3F0;
	[tilespmem:v3+s11+$0x0] =	vst.idx.add.s32.msk $0xffff, v1  }
0x3c: {  	s23 =	sor.u32 s25, s23;
	[tilespmem:v2+s11+$0x0] =	vst.idx.add.s32.msk $0xffff, v1  }
0x3d: {  	v2 =	vld [tilespmem:s23+$0x470]  }
0x3e: {  	v3 =	vld [tilespmem:s23+$0x0]  }
0x3f: {  	v4 =	vld [tilespmem:s23+$0x10]  }
0x40: {  	v5 =	vld [tilespmem:s23+$0x20]  }
0x41: {  	v6 =	vld [tilespmem:s23+$0x30]  }
0x42: {  	v7 =	vld [tilespmem:s23+$0x40];
	v2 =	vshrl.u32 v2, $0x10  }
0x43: {  	v3 =	vshrl.u32 v3, $0x10;
	v8 =	vld [tilespmem:s23+$0x50]  }
0x44: {  	v4 =	vshrl.u32 v4, $0x10;
	v9 =	vld [tilespmem:s23+$0x60]  }
0x45: {  	v5 =	vshrl.u32 v5, $0x10;
	v10 =	vld [tilespmem:s23+$0x70]  }
0x46: {  	v6 =	vshrl.u32 v6, $0x10;
	v11 =	vld [tilespmem:s23+$0x400]  }
0x47: {  	v7 =	vshrl.u32 v7, $0x10;
	[tilespmem:v2+s11+$0x0] =	vst.idx.add.s32.msk $0xffff, v1  }
0x48: {  	v8 =	vshrl.u32 v8, $0x10;
	v2 =	vld [tilespmem:s23+$0x410]  }
0x49: {  	v9 =	vshrl.u32 v9, $0x10;
	v12 =	vld [tilespmem:s23+$0x420]  }
0x4a: {  	v10 =	vshrl.u32 v10, $0x10;
	v13 =	vld [tilespmem:s23+$0x430]  }
0x4b: {  	v11 =	vshrl.u32 v11, $0x10;
	v14 =	vld [tilespmem:s23+$0x440]  }
0x4c: {  	v15 =	vld [tilespmem:s23+$0x450]  }
0x4d: {  	v16 =	vshrl.u32 v2, $0x10;
	v2 =	vld [tilespmem:s23+$0x460]  }
0x4e: {  	[tilespmem:v3+s11+$0x0] =	vst.idx.add.s32.msk $0xffff, v1;
	v12 =	vshrl.u32 v12, $0x10  }
0x4f: {  	[tilespmem:v4+s11+$0x0] =	vst.idx.add.s32.msk $0xffff, v1;
	v13 =	vshrl.u32 v13, $0x10  }
0x50: {  	[tilespmem:v5+s11+$0x0] =	vst.idx.add.s32.msk $0xffff, v1;
	v4 =	vshrl.u32 v14, $0x10  }
0x51: {  	[tilespmem:v6+s11+$0x0] =	vst.idx.add.s32.msk $0xffff, v1;
	v3 =	vshrl.u32 v15, $0x10  }
0x52: {  	[tilespmem:v7+s11+$0x0] =	vst.idx.add.s32.msk $0xffff, v1;
	v2 =	vshrl.u32 v2, $0x10  }
0x53: {  	[tilespmem:v8+s11+$0x0] =	vst.idx.add.s32.msk $0xffff, v1  }
0x54: {  	[tilespmem:v9+s11+$0x0] =	vst.idx.add.s32.msk $0xffff, v1  }
.Ltmp1:
0x55: {  	[tilespmem:v10+s11+$0x0] =	vst.idx.add.s32.msk $0xffff, v1;
	(pc) =	sbr.rel @p0 .LBB2_5-.Ltmp1, $4  }
0x56: {  	[tilespmem:v11+s11+$0x0] =	vst.idx.add.s32.msk $0xffff, v1  }
0x57: {  	[tilespmem:v16+s11+$0x0] =	vst.idx.add.s32.msk $0xffff, v1  }
0x58: {  	[tilespmem:v12+s11+$0x0] =	vst.idx.add.s32.msk $0xffff, v1  }
0x59: {  	s20 =	sadd.s32 $0x40, s20;
	s21 =	sadd.s32 $0x800, s21;
	s22 =	sadd.s32 $0x100, s22;
	[tilespmem:v13+s11+$0x0] =	vst.idx.add.s32.msk $0xffff, v1  }
0x5a: {  	_ =	sdelay $0x1  }
0x5b: {  	p0 =	seq.s32 s17, $0x8  }
0x5c: {  	s19 =	sshll.u32 @!p0 s17, $0xF  }
0x5d: {  	[tilespmem:v4+s11+$0x0] =	vst.idx.add.s32.msk $0xffff, v1;
	s19 =	sadd.s32 @!p0 s19, s6  }
0x5e: {  	[tilespmem:v3+s11+$0x0] =	vst.idx.add.s32.msk $0xffff, v1;
	s19 =	sshrl.u32 @!p0 s19, $0x3  }
0x5f: {  	[tilespmem:v2+s11+$0x0] =	vst.idx.add.s32.msk $0xffff, v1;
	s25 =	simm.s32 $0x0;
	s20 =	simm.s32 @!p0 $0x0;
	s19 =	sadd.s32 @!p0 s2, s19  }
0x60: {  	[tilespmem:s20], [sflag:$0x1] =	stream.linear.gather @!p0 [hbm4b:s19+s20], $0x4000, $0x38;
	[tilespmem:$0x10000] =	vst v63  }
0x61: {  	s26 =	sand.u32 $0x3000, s25;
	s21 =	sand.u32 $0x800, s25;
	_ =	swait.ge [sflag:s12], $0x4000  }
0x62: {  	s19 =	sand.u32 $0x380, s25;
	s20 =	sor.u32 s21, s26;
	[sflag:s12] =	ssyncset.done $0x0  }
0x63: {  	s19 =	sor.u32 s19, s20;
	[sflag:s12] =	ssyncadd.s32 $0xFFFFC000  }
0x64: {  	v1 =	vld [tilespmem:s19+$0x4470]  }
0x65: {  	v2 =	vld [tilespmem:s19+$0x4000]  }
0x66: {  	v3 =	vld [tilespmem:s19+$0x4010]  }
0x67: {  	v4 =	vld [tilespmem:s19+$0x4020]  }
0x68: {  	v5 =	vld [tilespmem:s19+$0x4030]  }
0x69: {  	v6 =	vld [tilespmem:s19+$0x4040]  }
0x6a: {  	v8 =	vld [tilespmem:s19+$0x4050]  }
0x6b: {  	s28 =	sshrl.u32 s18, $0x9;
	v9 =	vld [tilespmem:s19+$0x4060]  }
0x6c: {  	s29 =	sand.u32 $0xEE00, s18;
	s22 =	simm.s32 $0x1;
	p0 =	seq.s32 s28, $0xF;
	v10 =	vld [tilespmem:s19+$0x4070]  }
0x6d: {  	p1 =	seq.s32 s29, $0x0;
	s22 =	simm.s32 @!p0 $0x2;
	v11 =	vld [tilespmem:s19+$0x4400]  }
0x6e: {  	s30 =	sand.u32 $0xF600, s18;
	p0 =	seq.s32 s28, $0x15;
	s22 =	simm.s32 @p1 $0x1;
	v12 =	vld [tilespmem:s19+$0x4420];
	v7 =	vshrl.u32 v1, $0x10  }
0x6f: {  	s31 =	sand.u32 $0xFA00, s18;
	p1 =	seq.s32 s30, $0x3400;
	s22 =	simm.s32 @p0 $0x1;
	v13 =	vld [tilespmem:s19+$0x4430]  }
0x70: {  	p0 =	seq.s32 s31, $0x4200;
	s22 =	simm.s32 @p1 $0x1;
	v14 =	vld [tilespmem:s19+$0x4440];
	v2 =	vshrl.u32 v2, $0x10  }
0x71: {  	v15 =	vld [tilespmem:s19+$0x4450];
	s22 =	simm.s32 @p0 $0x1;
	v3 =	vshrl.u32 v3, $0x10  }
0x72: {  	v16 =	vld [tilespmem:s19+$0x4460];
	v1 =	vmov s22;
	v4 =	vshrl.u32 v4, $0x10  }
0x73: {  	v5 =	vshrl.u32 v5, $0x10;
	[tilespmem:v7+s11+$0x0] =	vst.idx.add.s32.msk $0xffff, v1  }
0x74: {  	v6 =	vshrl.u32 v6, $0x10;
	v7 =	vld [tilespmem:s19+$0x4410]  }
0x75: {  	v8 =	vshrl.u32 v8, $0x10;
	[tilespmem:v2+s11+$0x0] =	vst.idx.add.s32.msk $0xffff, v1  }
0x76: {  	v2 =	vshrl.u32 v9, $0x10;
	[tilespmem:v3+s11+$0x0] =	vst.idx.add.s32.msk $0xffff, v1  }
0x77: {  	[tilespmem:v4+s11+$0x0] =	vst.idx.add.s32.msk $0xffff, v1;
	v4 =	vshrl.u32 v11, $0x10  }
0x78: {  	v3 =	vshrl.u32 v10, $0x10;
	[tilespmem:v5+s11+$0x0] =	vst.idx.add.s32.msk $0xffff, v1  }
0x79: {  	[tilespmem:v6+s11+$0x0] =	vst.idx.add.s32.msk $0xffff, v1;
	v6 =	vshrl.u32 v12, $0x10  }
0x7a: {  	[tilespmem:v8+s11+$0x0] =	vst.idx.add.s32.msk $0xffff, v1;
	v5 =	vshrl.u32 v7, $0x10  }
0x7b: {  	v7 =	vshrl.u32 v13, $0x10;
	[tilespmem:v2+s11+$0x0] =	vst.idx.add.s32.msk $0xffff, v1  }
0x7c: {  	[tilespmem:v4+s11+$0x0] =	vst.idx.add.s32.msk $0xffff, v1;
	v4 =	vshrl.u32 v14, $0x10  }
0x7d: {  	[tilespmem:v3+s11+$0x0] =	vst.idx.add.s32.msk $0xffff, v1;
	v3 =	vshrl.u32 v15, $0x10  }
0x7e: {  	[tilespmem:v6+s11+$0x0] =	vst.idx.add.s32.msk $0xffff, v1;
	v2 =	vshrl.u32 v16, $0x10  }
0x7f: {  	s18 =	simm.s32 $0x0;
	[tilespmem:v5+s11+$0x0] =	vst.idx.add.s32.msk $0xffff, v1  }
0x80: {  	s21 =	simm.s32 $0x100;
	s20 =	simm.s32 $0x800;
	s19 =	simm.s32 $0x40;
	[tilespmem:v7+s11+$0x0] =	vst.idx.add.s32.msk $0xffff, v1  }
.LBB2_7:
0x81: {  	s22 =	sand.u32 $0x3000, s21;
	s23 =	sand.u32 $0x800, s20;
	s18 =	sadd.s32 $0x10, s18;
	[tilespmem:v4+s11+$0x0] =	vst.idx.add.s32.msk $0xffff, v1  }
0x82: {  	s24 =	sand.u32 $0x380, s19;
	s22 =	sor.u32 s23, s22;
	p0 =	slt.u32 s18, $0x3F0;
	[tilespmem:v3+s11+$0x0] =	vst.idx.add.s32.msk $0xffff, v1  }
0x83: {  	s22 =	sor.u32 s24, s22;
	[tilespmem:v2+s11+$0x0] =	vst.idx.add.s32.msk $0xffff, v1  }
0x84: {  	v2 =	vld [tilespmem:s22+$0x4470]  }
0x85: {  	v3 =	vld [tilespmem:s22+$0x4000]  }
0x86: {  	v4 =	vld [tilespmem:s22+$0x4010]  }
0x87: {  	v5 =	vld [tilespmem:s22+$0x4020]  }
0x88: {  	v6 =	vld [tilespmem:s22+$0x4030]  }
0x89: {  	v7 =	vld [tilespmem:s22+$0x4040];
	v2 =	vshrl.u32 v2, $0x10  }
0x8a: {  	v3 =	vshrl.u32 v3, $0x10;
	v8 =	vld [tilespmem:s22+$0x4050]  }
0x8b: {  	v4 =	vshrl.u32 v4, $0x10;
	v9 =	vld [tilespmem:s22+$0x4060]  }
0x8c: {  	v5 =	vshrl.u32 v5, $0x10;
	v10 =	vld [tilespmem:s22+$0x4070]  }
0x8d: {  	v6 =	vshrl.u32 v6, $0x10;
	v11 =	vld [tilespmem:s22+$0x4400]  }
0x8e: {  	v7 =	vshrl.u32 v7, $0x10;
	[tilespmem:v2+s11+$0x0] =	vst.idx.add.s32.msk $0xffff, v1  }
0x8f: {  	v8 =	vshrl.u32 v8, $0x10;
	v2 =	vld [tilespmem:s22+$0x4410]  }
0x90: {  	v9 =	vshrl.u32 v9, $0x10;
	v12 =	vld [tilespmem:s22+$0x4420]  }
0x91: {  	v10 =	vshrl.u32 v10, $0x10;
	v13 =	vld [tilespmem:s22+$0x4430]  }
0x92: {  	v11 =	vshrl.u32 v11, $0x10;
	v14 =	vld [tilespmem:s22+$0x4440]  }
0x93: {  	v15 =	vld [tilespmem:s22+$0x4450]  }
0x94: {  	v16 =	vshrl.u32 v2, $0x10;
	v2 =	vld [tilespmem:s22+$0x4460]  }
0x95: {  	[tilespmem:v3+s11+$0x0] =	vst.idx.add.s32.msk $0xffff, v1;
	v12 =	vshrl.u32 v12, $0x10  }
0x96: {  	[tilespmem:v4+s11+$0x0] =	vst.idx.add.s32.msk $0xffff, v1;
	v13 =	vshrl.u32 v13, $0x10  }
0x97: {  	[tilespmem:v5+s11+$0x0] =	vst.idx.add.s32.msk $0xffff, v1;
	v4 =	vshrl.u32 v14, $0x10  }
0x98: {  	[tilespmem:v6+s11+$0x0] =	vst.idx.add.s32.msk $0xffff, v1;
	v3 =	vshrl.u32 v15, $0x10  }
0x99: {  	[tilespmem:v7+s11+$0x0] =	vst.idx.add.s32.msk $0xffff, v1;
	v2 =	vshrl.u32 v2, $0x10  }
0x9a: {  	[tilespmem:v8+s11+$0x0] =	vst.idx.add.s32.msk $0xffff, v1  }
0x9b: {  	[tilespmem:v9+s11+$0x0] =	vst.idx.add.s32.msk $0xffff, v1  }
.Ltmp2:
0x9c: {  	[tilespmem:v10+s11+$0x0] =	vst.idx.add.s32.msk $0xffff, v1;
	(pc) =	sbr.rel @p0 .LBB2_7-.Ltmp2, $4  }
0x9d: {  	[tilespmem:v11+s11+$0x0] =	vst.idx.add.s32.msk $0xffff, v1  }
0x9e: {  	[tilespmem:v16+s11+$0x0] =	vst.idx.add.s32.msk $0xffff, v1  }
0x9f: {  	[tilespmem:v12+s11+$0x0] =	vst.idx.add.s32.msk $0xffff, v1  }
0xa0: {  	s19 =	sadd.s32 $0x40, s19;
	s20 =	sadd.s32 $0x800, s20;
	s21 =	sadd.s32 $0x100, s21;
	[tilespmem:v13+s11+$0x0] =	vst.idx.add.s32.msk $0xffff, v1  }
0xa1: {  	s17 =	sadd.s32 $0x1, s17  }
0xa2: {  	p0 =	sne.s32 s17, $0x9  }
.Ltmp3:
0xa3: {  	_ = 	snop;
	(pc) =	sbr.rel @p0 .LBB2_4-.Ltmp3, $4  }
0xa4: {  	_ = 	snop  }
0xa5: {  	[tilespmem:v4+s11+$0x0] =	vst.idx.add.s32.msk $0xffff, v1  }
0xa6: {  	[tilespmem:v3+s11+$0x0] =	vst.idx.add.s32.msk $0xffff, v1  }
0xa7: {  	[tilespmem:v2+s11+$0x0] =	vst.idx.add.s32.msk $0xffff, v1  }
0xa8: {  	s3 =	sadd.s32 $0x1, s3  }
0xa9: {  	p0 =	sne.s32 s3, s8  }
.Ltmp4:
0xaa: {  	_ = 	snop;
	(pc) =	sbr.rel @p0 .LBB2_1-.Ltmp4, $4  }
0xab: {  	[hbm4b:s7+s13] =	stream.strided.scatter [tilespmem:s11], [sflag:$0x3], $0x8000, s14, s13, $0x38;
	[tilespmem:$0x10000] =	vst v63  }
0xac: {  	_ =	swait.ge [sflag:s15], $0x8000  }
0xad: {  	[sflag:s15] =	ssyncset.done $0x0  }
0xae: {  	[sflag:s15] =	ssyncadd.s32 $0xFFFF8000  }
0xaf: {  	_ =	sfence.sel $0x180000  }
0xb0: {  	[bflag:$0x0] =	sbarrier.arrive $0xFFFF  }
0xb1: {  	p0 =	sne.s32 s1, $0x0;
	_ =	strace $0x90000047  }
0xb2: {  	s0 =	sadd.s32 @!p0 $0x100000, s0;
	[bflag:$0x2] =	sbarrier.arrive $0xFFFF  }
0xb3: {  	[sflag:s0] =	ssyncadd.tile.s32 @!p0 $0x1;
	_ =	shalt  }
.Lfunc_end2:
_tile_overlayer_lowered:
.L_overlay_start_2:
0xb4: {  	(tag) =	ssettag $0x2  }
0xb5: {  	s0 =	rddreg [dreg:$0x0];
	s2 =	stileid.u32  }
0xb6: {  	s1 =	rddreg [dreg:$0x1];
	p0 =	sne.s32 s2, $0x0  }
0xb7: {  	s3 =	rddreg [dreg:$0x2];
	[bflag:$0x3] =	sbarrier.arrive $0xFFFF;
	s2 =	simm.s32 @!p0 $0x1C03  }
0xb8: {  	[timem:s3], [sflag:s2] =	dma.local @!p0 [hbm:s0], s1  }
0xb9: {  	s0 =	simm.s32 @!p0 $0x3  }
0xba: {  	_ =	swait.ge @!p0 [sflag:s0], s1  }
0xbb: {  	s1 =	ssub.s32 @!p0 $0x0, s1;
	[sflag:s0] =	ssyncset.done @!p0 $0x0  }
0xbc: {  	[sflag:s0] =	ssyncadd.s32 @!p0 s1  }
0xbd: {  	[bflag:$0x3] =	sbarrier.arrive $0xFFFF  }
0xbe: {  	_ =	shalt  }

</sc_bundles>
